<compile_context>
chip_gen: v7x
topology: tpu7x:2x2x1
jax: 0.10.2.dev20260603
libtpu: 0.0.44.dev20260713+nightly
codegen_flags: <defaults>
</compile_context>

<pallas_src>
import functools

import jax
import jax.numpy as jnp
from jax import lax
from jax.experimental import pallas as pl
from jax.experimental.pallas import tpu as pltpu
from jax.experimental.pallas import tpu_sc as plsc

K = 1024
DIM = 2048
KNN = 8
Q = 32
KT = 256
NSTEPS = K // KT
L = 16
NVREG = K // L


def _tc_body(query_ref, anchor_ref, out_ref, logq_ref):
    i = pl.program_id(0)

    @pl.when(i == 0)
    def _():
        logq_ref[...] = jnp.log(query_ref[...])

    a = anchor_ref[...]
    log_a = jnp.log(a)
    self_term = jnp.sum(a * log_a, axis=1, keepdims=True)
    cross = lax.dot_general(
        a, logq_ref[...], (((1,), (1,)), ((), ())),
        preferred_element_type=jnp.float32)
    out_ref[...] = lax.transpose((self_term - cross) / DIM, (1, 0))


def _merge(a, b):
    ka, va = a
    kb, vb = b
    rkb = lax.rev(kb, (0,))
    rvb = lax.rev(vb, (0,))
    pred = ka <= rkb
    ck = jnp.where(pred, ka, rkb)
    cv = jnp.where(pred, va, rvb)
    return plsc.sort_key_val(ck, cv)


def _sc_body(dist_hbm, label_hbm, out_hbm, dist_v, lab_v, vote_v):
    wid = lax.axis_index("s") * 2 + lax.axis_index("c")
    pltpu.sync_copy(dist_hbm.at[wid], dist_v)
    pltpu.sync_copy(label_hbm, lab_v)
    lane = lax.broadcasted_iota(jnp.int32, (L,), 0)
    lists = []
    for j in range(NVREG):
        kj = dist_v[pl.ds(j * L, L)]
        lists.append(plsc.sort_key_val(kj, lane + j * L))
    while len(lists) > 1:
        lists = [_merge(lists[i], lists[i + 1]) for i in range(0, len(lists), 2)]
    _, top_idx = lists[0]
    labs = plsc.load_gather(lab_v, [top_idx])
    s = jnp.sum(jnp.where(lane < KNN, labs, 0))
    vote_v[...] = jnp.broadcast_to(jnp.where(s >= KNN // 2 + 1, 1, 0), (L,))
    pltpu.sync_copy(vote_v, out_hbm.at[wid])


@functools.partial(
    pl.kernel,
    out_type=jax.ShapeDtypeStruct((Q, L), jnp.int32),
    mesh=plsc.VectorSubcoreMesh(core_axis_name="c", subcore_axis_name="s"),
    compiler_params=pltpu.CompilerParams(needs_layout_passes=False),
    scratch_types=[
        pltpu.VMEM((K,), jnp.float32),
        pltpu.VMEM((K,), jnp.int32),
        pltpu.VMEM((L,), jnp.int32),
    ],
)
def _sc_topk_vote(dist_hbm, label_hbm, out_hbm, dist_v, lab_v, vote_v):
    _sc_body(dist_hbm, label_hbm, out_hbm, dist_v, lab_v, vote_v)


@jax.jit
def kernel(query, queue_anchor, queue_label):
    dist = pl.pallas_call(
        _tc_body,
        grid=(NSTEPS,),
        in_specs=[
            pl.BlockSpec((Q, DIM), lambda i: (0, 0)),
            pl.BlockSpec((KT, DIM), lambda i: (i, 0)),
        ],
        out_specs=pl.BlockSpec((Q, KT), lambda i: (0, i)),
        out_shape=jax.ShapeDtypeStruct((Q, K), jnp.float32),
        scratch_shapes=[
            pltpu.VMEM((Q, DIM), jnp.float32),
        ],
    )(query, queue_anchor)
    votes = _sc_topk_vote(dist, queue_label.astype(jnp.int32))
    return votes[:, 0]

# --- scband reference (transcript-rebuilt; emitter-appended) ---
"""Pipeline reference for scband-anchor-store-6330781795014 (READ-ONLY COPY).

The authoritative reference and input builder live on the scoring server;
editing this copy changes nothing except your own understanding.
"""

import jax, jax.numpy as jnp
import numpy as np

K = 1024
DIM = 2048
KNN = 8
N_CLASS = 2
Q = 32

def setup_inputs(seed: int = 0) -> dict:
    key = jax.random.key(seed)
    k1, k2, k3 = jax.random.split(key, 3)
    # anchors and queries are treated as (unnormalized) distributions; must be positive for log()
    query = jax.random.uniform(k1, (Q, DIM), dtype=jnp.float32, minval=1e-4, maxval=1.0)
    queue_anchor = jax.random.uniform(k2, (K, DIM), dtype=jnp.float32, minval=1e-4, maxval=1.0)
    queue_label = jax.random.randint(k3, (K,), 0, N_CLASS, dtype=jnp.int64)
    return {"query": query, "queue_anchor": queue_anchor, "queue_label": queue_label}

def reference(query, queue_anchor, queue_label):
    # kl_distance[q, k] = mean_d( anchor[k, d] * (log anchor[k, d] - log query[q, d]) )
    # expanded exactly: (1/D) * [ sum_d a*log(a)  -  a @ log(q)^T ]  (same math as the broadcasted form)
    log_a = jnp.log(queue_anchor)                                   # [K, D]
    log_q = jnp.log(query)                                          # [Q, D]
    self_term = jnp.sum(queue_anchor * log_a, axis=1, keepdims=True)  # [K, 1]
    cross = queue_anchor @ log_q.T                                  # [K, Q]
    kl_distance = ((self_term - cross) / DIM).T                     # [Q, K]
    # knn > 1 branch: topk smallest distances, then mode over neighbor labels
    _, indices = jax.lax.top_k(-kl_distance, KNN)                   # [Q, KNN]
    knn_labels = queue_label[indices]                               # [Q, KNN]
    classes = jnp.arange(N_CLASS, dtype=knn_labels.dtype)
    counts = jnp.sum(knn_labels[:, :, None] == classes[None, None, :], axis=1)  # [Q, N_CLASS]
    # argmax takes first (smallest) label on ties, matching torch.mode tie-breaking
    return jnp.argmax(counts, axis=1)

if __name__ == "__main__":
    import jax
    _d = setup_inputs()
    print(jax.jit(kernel)(*tuple(_d.values())))

</pallas_src>

<mosaic_0001>
#map = affine_map<(d0, d1) -> (0, 0)>
#map1 = affine_map<(d0, d1) -> (0)>
module attributes {stable_mosaic.version = 14 : i64} {
  func.func @_sc_topk_vote(%arg0: i32, %arg1: i32, %arg2: memref<32x1024xf32, #tpu.memory_space<hbm>>, %arg3: memref<1024xi32, #tpu.memory_space<hbm>>, %arg4: memref<32x16xi32, #tpu.memory_space<hbm>>, %arg5: memref<1024xf32, #tpu.memory_space<vmem>>, %arg6: memref<1024xi32, #tpu.memory_space<vmem>>, %arg7: memref<16xi32, #tpu.memory_space<vmem>>) attributes {dimension_semantics = [#tpu.dimension_semantics<core_parallel>, #tpu.dimension_semantics<subcore_parallel>], iteration_bounds = array<i64: 2, 16>, scalar_prefetch = 0 : i64, scratch_operands = 3 : i64, tpu.core_type = #tpu.core_type<sc_vector_subcore>, window_params = [{transform_indices = #map}, {transform_indices = #map1}, {transform_indices = #map}]} {
    %mul3A = arith.constant 2 : i32
    %mul3A_0 = arith.muli %arg1, %mul3A : i32
    %add3A = arith.addi %mul3A_0, %arg0 : i32
    "tpu.region"() ({
      %run_scoped3A = tpu.sem_alloc : memref<!tpu.dma_semaphore, #tpu.memory_space<semaphore_mem>>
      %dma_start3A = arith.constant 0 : i32
      %dma_start3A_1655 = tpu.memref_slice %arg2[%add3A, %dma_start3A] : memref<32x1024xf32, #tpu.memory_space<hbm>> -> memref<1x1024xf32, #tpu.memory_space<hbm>>
      %dma_start3A_1656 = tpu.memref_squeeze %dma_start3A_1655 : memref<1x1024xf32, #tpu.memory_space<hbm>> -> memref<1024xf32, #tpu.memory_space<hbm>>
      %dma_start3A_1657 = arith.constant 0 : i32
      %dma_start3A_1658 = tpu.memref_slice %arg2[%add3A, %dma_start3A_1657] : memref<32x1024xf32, #tpu.memory_space<hbm>> -> memref<1x1024xf32, #tpu.memory_space<hbm>>
      %dma_start3A_1659 = tpu.memref_squeeze %dma_start3A_1658 : memref<1x1024xf32, #tpu.memory_space<hbm>> -> memref<1024xf32, #tpu.memory_space<hbm>>
      tpu.enqueue_dma source(%dma_start3A_1659 : memref<1024xf32, #tpu.memory_space<hbm>>) target(%arg5 : memref<1024xf32, #tpu.memory_space<vmem>>) target_semaphore(%run_scoped3A : memref<!tpu.dma_semaphore, #tpu.memory_space<semaphore_mem>>)
      %dma_wait3A = arith.constant 0 : i32
      %dma_wait3A_1660 = tpu.memref_slice %arg2[%add3A, %dma_wait3A] : memref<32x1024xf32, #tpu.memory_space<hbm>> -> memref<1x1024xf32, #tpu.memory_space<hbm>>
      %dma_wait3A_1661 = tpu.memref_squeeze %dma_wait3A_1660 : memref<1x1024xf32, #tpu.memory_space<hbm>> -> memref<1024xf32, #tpu.memory_space<hbm>>
      %dma_wait3A_1662 = arith.constant 0 : i32
      %dma_wait3A_1663 = tpu.memref_slice %arg2[%add3A, %dma_wait3A_1662] : memref<32x1024xf32, #tpu.memory_space<hbm>> -> memref<1x1024xf32, #tpu.memory_space<hbm>>
      %dma_wait3A_1664 = tpu.memref_squeeze %dma_wait3A_1663 : memref<1x1024xf32, #tpu.memory_space<hbm>> -> memref<1024xf32, #tpu.memory_space<hbm>>
      tpu.wait_dma2 semaphore(%run_scoped3A : memref<!tpu.dma_semaphore, #tpu.memory_space<semaphore_mem>>) src(%dma_wait3A_1664 : memref<1024xf32, #tpu.memory_space<hbm>>) dst(%arg5 : memref<1024xf32, #tpu.memory_space<vmem>>)
      tpu.yield
    }) : () -> ()
    "tpu.region"() ({
      %run_scoped3A = tpu.sem_alloc : memref<!tpu.dma_semaphore, #tpu.memory_space<semaphore_mem>>
      tpu.enqueue_dma source(%arg3 : memref<1024xi32, #tpu.memory_space<hbm>>) target(%arg6 : memref<1024xi32, #tpu.memory_space<vmem>>) target_semaphore(%run_scoped3A : memref<!tpu.dma_semaphore, #tpu.memory_space<semaphore_mem>>)
      tpu.wait_dma2 semaphore(%run_scoped3A : memref<!tpu.dma_semaphore, #tpu.memory_space<semaphore_mem>>) src(%arg3 : memref<1024xi32, #tpu.memory_space<hbm>>) dst(%arg6 : memref<1024xi32, #tpu.memory_space<vmem>>)
      tpu.yield
    }) : () -> ()
    %iota3A = tpu.iota {dimensions = array<i32: 0>} : vector<16xi32>
    %get3A = arith.constant 0 : index
    %get3A_1 = tpu.vector_load %arg5[%get3A] {strides = array<i32>} : memref<1024xf32, #tpu.memory_space<vmem>>, vector<16xf32>,
    %add3A_2 = arith.constant 0 : i32
    %add3A_3 = vector.broadcast %add3A_2 : i32 to vector<16xi32>
    %add3A_4 = arith.addi %iota3A, %add3A_3 : vector<16xi32>
    %masked_sort3A = arith.constant dense<true> : vector<16xi1>
    %masked_sort3A_5, %masked_sort3A_6, %masked_sort3A_7 = tpu.sort %get3A_1, %add3A_4 masked %masked_sort3A : (vector<16xf32>, vector<16xi32>, vector<16xi1>) -> (vector<16xi1>, vector<16xf32>, vector<16xi32>)
    %get3A_8 = arith.constant 16 : index
    %get3A_9 = tpu.vector_load %arg5[%get3A_8] {strides = array<i32>} : memref<1024xf32, #tpu.memory_space<vmem>>, vector<16xf32>,
    %add3A_10 = arith.constant 16 : i32
    %add3A_11 = vector.broadcast %add3A_10 : i32 to vector<16xi32>
    %add3A_12 = arith.addi %iota3A, %add3A_11 : vector<16xi32>
    %masked_sort3A_13 = arith.constant dense<true> : vector<16xi1>
    %masked_sort3A_14, %masked_sort3A_15, %masked_sort3A_16 = tpu.sort %get3A_9, %add3A_12 masked %masked_sort3A_13 : (vector<16xf32>, vector<16xi32>, vector<16xi1>) -> (vector<16xi1>, vector<16xf32>, vector<16xi32>)
    %get3A_17 = arith.constant 32 : index
    %get3A_18 = tpu.vector_load %arg5[%get3A_17] {strides = array<i32>} : memref<1024xf32, #tpu.memory_space<vmem>>, vector<16xf32>,
    %add3A_19 = arith.constant 32 : i32
    %add3A_20 = vector.broadcast %add3A_19 : i32 to vector<16xi32>
    %add3A_21 = arith.addi %iota3A, %add3A_20 : vector<16xi32>
    %masked_sort3A_22 = arith.constant dense<true> : vector<16xi1>
    %masked_sort3A_23, %masked_sort3A_24, %masked_sort3A_25 = tpu.sort %get3A_18, %add3A_21 masked %masked_sort3A_22 : (vector<16xf32>, vector<16xi32>, vector<16xi1>) -> (vector<16xi1>, vector<16xf32>, vector<16xi32>)
    %get3A_26 = arith.constant 48 : index
    %get3A_27 = tpu.vector_load %arg5[%get3A_26] {strides = array<i32>} : memref<1024xf32, #tpu.memory_space<vmem>>, vector<16xf32>,
    %add3A_28 = arith.constant 48 : i32
    %add3A_29 = vector.broadcast %add3A_28 : i32 to vector<16xi32>
    %add3A_30 = arith.addi %iota3A, %add3A_29 : vector<16xi32>
    %masked_sort3A_31 = arith.constant dense<true> : vector<16xi1>
    %masked_sort3A_32, %masked_sort3A_33, %masked_sort3A_34 = tpu.sort %get3A_27, %add3A_30 masked %masked_sort3A_31 : (vector<16xf32>, vector<16xi32>, vector<16xi1>) -> (vector<16xi1>, vector<16xf32>, vector<16xi32>)
    %get3A_35 = arith.constant 64 : index
    %get3A_36 = tpu.vector_load %arg5[%get3A_35] {strides = array<i32>} : memref<1024xf32, #tpu.memory_space<vmem>>, vector<16xf32>,
    %add3A_37 = arith.constant 64 : i32
    %add3A_38 = vector.broadcast %add3A_37 : i32 to vector<16xi32>
    %add3A_39 = arith.addi %iota3A, %add3A_38 : vector<16xi32>
    %masked_sort3A_40 = arith.constant dense<true> : vector<16xi1>
    %masked_sort3A_41, %masked_sort3A_42, %masked_sort3A_43 = tpu.sort %get3A_36, %add3A_39 masked %masked_sort3A_40 : (vector<16xf32>, vector<16xi32>, vector<16xi1>) -> (vector<16xi1>, vector<16xf32>, vector<16xi32>)
    %get3A_44 = arith.constant 80 : index
    %get3A_45 = tpu.vector_load %arg5[%get3A_44] {strides = array<i32>} : memref<1024xf32, #tpu.memory_space<vmem>>, vector<16xf32>,
    %add3A_46 = arith.constant 80 : i32
    %add3A_47 = vector.broadcast %add3A_46 : i32 to vector<16xi32>
    %add3A_48 = arith.addi %iota3A, %add3A_47 : vector<16xi32>
    %masked_sort3A_49 = arith.constant dense<true> : vector<16xi1>
    %masked_sort3A_50, %masked_sort3A_51, %masked_sort3A_52 = tpu.sort %get3A_45, %add3A_48 masked %masked_sort3A_49 : (vector<16xf32>, vector<16xi32>, vector<16xi1>) -> (vector<16xi1>, vector<16xf32>, vector<16xi32>)
    %get3A_53 = arith.constant 96 : index
    %get3A_54 = tpu.vector_load %arg5[%get3A_53] {strides = array<i32>} : memref<1024xf32, #tpu.memory_space<vmem>>, vector<16xf32>,
    %add3A_55 = arith.constant 96 : i32
    %add3A_56 = vector.broadcast %add3A_55 : i32 to vector<16xi32>
    %add3A_57 = arith.addi %iota3A, %add3A_56 : vector<16xi32>
    %masked_sort3A_58 = arith.constant dense<true> : vector<16xi1>
    %masked_sort3A_59, %masked_sort3A_60, %masked_sort3A_61 = tpu.sort %get3A_54, %add3A_57 masked %masked_sort3A_58 : (vector<16xf32>, vector<16xi32>, vector<16xi1>) -> (vector<16xi1>, vector<16xf32>, vector<16xi32>)
    %get3A_62 = arith.constant 112 : index
    %get3A_63 = tpu.vector_load %arg5[%get3A_62] {strides = array<i32>} : memref<1024xf32, #tpu.memory_space<vmem>>, vector<16xf32>,
    %add3A_64 = arith.constant 112 : i32
    %add3A_65 = vector.broadcast %add3A_64 : i32 to vector<16xi32>
    %add3A_66 = arith.addi %iota3A, %add3A_65 : vector<16xi32>
    %masked_sort3A_67 = arith.constant dense<true> : vector<16xi1>
    %masked_sort3A_68, %masked_sort3A_69, %masked_sort3A_70 = tpu.sort %get3A_63, %add3A_66 masked %masked_sort3A_67 : (vector<16xf32>, vector<16xi32>, vector<16xi1>) -> (vector<16xi1>, vector<16xf32>, vector<16xi32>)
    %get3A_71 = arith.constant 128 : index
    %get3A_72 = tpu.vector_load %arg5[%get3A_71] {strides = array<i32>} : memref<1024xf32, #tpu.memory_space<vmem>>, vector<16xf32>,
    %add3A_73 = arith.constant 128 : i32
    %add3A_74 = vector.broadcast %add3A_73 : i32 to vector<16xi32>
    %add3A_75 = arith.addi %iota3A, %add3A_74 : vector<16xi32>
    %masked_sort3A_76 = arith.constant dense<true> : vector<16xi1>
    %masked_sort3A_77, %masked_sort3A_78, %masked_sort3A_79 = tpu.sort %get3A_72, %add3A_75 masked %masked_sort3A_76 : (vector<16xf32>, vector<16xi32>, vector<16xi1>) -> (vector<16xi1>, vector<16xf32>, vector<16xi32>)
    %get3A_80 = arith.constant 144 : index
    %get3A_81 = tpu.vector_load %arg5[%get3A_80] {strides = array<i32>} : memref<1024xf32, #tpu.memory_space<vmem>>, vector<16xf32>,
    %add3A_82 = arith.constant 144 : i32
    %add3A_83 = vector.broadcast %add3A_82 : i32 to vector<16xi32>
    %add3A_84 = arith.addi %iota3A, %add3A_83 : vector<16xi32>
    %masked_sort3A_85 = arith.constant dense<true> : vector<16xi1>
    %masked_sort3A_86, %masked_sort3A_87, %masked_sort3A_88 = tpu.sort %get3A_81, %add3A_84 masked %masked_sort3A_85 : (vector<16xf32>, vector<16xi32>, vector<16xi1>) -> (vector<16xi1>, vector<16xf32>, vector<16xi32>)
    %get3A_89 = arith.constant 160 : index
    %get3A_90 = tpu.vector_load %arg5[%get3A_89] {strides = array<i32>} : memref<1024xf32, #tpu.memory_space<vmem>>, vector<16xf32>,
    %add3A_91 = arith.constant 160 : i32
    %add3A_92 = vector.broadcast %add3A_91 : i32 to vector<16xi32>
    %add3A_93 = arith.addi %iota3A, %add3A_92 : vector<16xi32>
    %masked_sort3A_94 = arith.constant dense<true> : vector<16xi1>
    %masked_sort3A_95, %masked_sort3A_96, %masked_sort3A_97 = tpu.sort %get3A_90, %add3A_93 masked %masked_sort3A_94 : (vector<16xf32>, vector<16xi32>, vector<16xi1>) -> (vector<16xi1>, vector<16xf32>, vector<16xi32>)
    %get3A_98 = arith.constant 176 : index
    %get3A_99 = tpu.vector_load %arg5[%get3A_98] {strides = array<i32>} : memref<1024xf32, #tpu.memory_space<vmem>>, vector<16xf32>,
    %add3A_100 = arith.constant 176 : i32
    %add3A_101 = vector.broadcast %add3A_100 : i32 to vector<16xi32>
    %add3A_102 = arith.addi %iota3A, %add3A_101 : vector<16xi32>
    %masked_sort3A_103 = arith.constant dense<true> : vector<16xi1>
    %masked_sort3A_104, %masked_sort3A_105, %masked_sort3A_106 = tpu.sort %get3A_99, %add3A_102 masked %masked_sort3A_103 : (vector<16xf32>, vector<16xi32>, vector<16xi1>) -> (vector<16xi1>, vector<16xf32>, vector<16xi32>)
    %get3A_107 = arith.constant 192 : index
    %get3A_108 = tpu.vector_load %arg5[%get3A_107] {strides = array<i32>} : memref<1024xf32, #tpu.memory_space<vmem>>, vector<16xf32>,
    %add3A_109 = arith.constant 192 : i32
    %add3A_110 = vector.broadcast %add3A_109 : i32 to vector<16xi32>
    %add3A_111 = arith.addi %iota3A, %add3A_110 : vector<16xi32>
    %masked_sort3A_112 = arith.constant dense<true> : vector<16xi1>
    %masked_sort3A_113, %masked_sort3A_114, %masked_sort3A_115 = tpu.sort %get3A_108, %add3A_111 masked %masked_sort3A_112 : (vector<16xf32>, vector<16xi32>, vector<16xi1>) -> (vector<16xi1>, vector<16xf32>, vector<16xi32>)
    %get3A_116 = arith.constant 208 : index
    %get3A_117 = tpu.vector_load %arg5[%get3A_116] {strides = array<i32>} : memref<1024xf32, #tpu.memory_space<vmem>>, vector<16xf32>,
    %add3A_118 = arith.constant 208 : i32
    %add3A_119 = vector.broadcast %add3A_118 : i32 to vector<16xi32>
    %add3A_120 = arith.addi %iota3A, %add3A_119 : vector<16xi32>
    %masked_sort3A_121 = arith.constant dense<true> : vector<16xi1>
    %masked_sort3A_122, %masked_sort3A_123, %masked_sort3A_124 = tpu.sort %get3A_117, %add3A_120 masked %masked_sort3A_121 : (vector<16xf32>, vector<16xi32>, vector<16xi1>) -> (vector<16xi1>, vector<16xf32>, vector<16xi32>)
    %get3A_125 = arith.constant 224 : index
    %get3A_126 = tpu.vector_load %arg5[%get3A_125] {strides = array<i32>} : memref<1024xf32, #tpu.memory_space<vmem>>, vector<16xf32>,
    %add3A_127 = arith.constant 224 : i32
    %add3A_128 = vector.broadcast %add3A_127 : i32 to vector<16xi32>
    %add3A_129 = arith.addi %iota3A, %add3A_128 : vector<16xi32>
    %masked_sort3A_130 = arith.constant dense<true> : vector<16xi1>
    %masked_sort3A_131, %masked_sort3A_132, %masked_sort3A_133 = tpu.sort %get3A_126, %add3A_129 masked %masked_sort3A_130 : (vector<16xf32>, vector<16xi32>, vector<16xi1>) -> (vector<16xi1>, vector<16xf32>, vector<16xi32>)
    %get3A_134 = arith.constant 240 : index
    %get3A_135 = tpu.vector_load %arg5[%get3A_134] {strides = array<i32>} : memref<1024xf32, #tpu.memory_space<vmem>>, vector<16xf32>,
    %add3A_136 = arith.constant 240 : i32
    %add3A_137 = vector.broadcast %add3A_136 : i32 to vector<16xi32>
    %add3A_138 = arith.addi %iota3A, %add3A_137 : vector<16xi32>
    %masked_sort3A_139 = arith.constant dense<true> : vector<16xi1>
    %masked_sort3A_140, %masked_sort3A_141, %masked_sort3A_142 = tpu.sort %get3A_135, %add3A_138 masked %masked_sort3A_139 : (vector<16xf32>, vector<16xi32>, vector<16xi1>) -> (vector<16xi1>, vector<16xf32>, vector<16xi32>)
    %get3A_143 = arith.constant 256 : index
    %get3A_144 = tpu.vector_load %arg5[%get3A_143] {strides = array<i32>} : memref<1024xf32, #tpu.memory_space<vmem>>, vector<16xf32>,
    %add3A_145 = arith.constant 256 : i32
    %add3A_146 = vector.broadcast %add3A_145 : i32 to vector<16xi32>
    %add3A_147 = arith.addi %iota3A, %add3A_146 : vector<16xi32>
    %masked_sort3A_148 = arith.constant dense<true> : vector<16xi1>
    %masked_sort3A_149, %masked_sort3A_150, %masked_sort3A_151 = tpu.sort %get3A_144, %add3A_147 masked %masked_sort3A_148 : (vector<16xf32>, vector<16xi32>, vector<16xi1>) -> (vector<16xi1>, vector<16xf32>, vector<16xi32>)
    %get3A_152 = arith.constant 272 : index
    %get3A_153 = tpu.vector_load %arg5[%get3A_152] {strides = array<i32>} : memref<1024xf32, #tpu.memory_space<vmem>>, vector<16xf32>,
    %add3A_154 = arith.constant 272 : i32
    %add3A_155 = vector.broadcast %add3A_154 : i32 to vector<16xi32>
    %add3A_156 = arith.addi %iota3A, %add3A_155 : vector<16xi32>
    %masked_sort3A_157 = arith.constant dense<true> : vector<16xi1>
    %masked_sort3A_158, %masked_sort3A_159, %masked_sort3A_160 = tpu.sort %get3A_153, %add3A_156 masked %masked_sort3A_157 : (vector<16xf32>, vector<16xi32>, vector<16xi1>) -> (vector<16xi1>, vector<16xf32>, vector<16xi32>)
    %get3A_161 = arith.constant 288 : index
    %get3A_162 = tpu.vector_load %arg5[%get3A_161] {strides = array<i32>} : memref<1024xf32, #tpu.memory_space<vmem>>, vector<16xf32>,
    %add3A_163 = arith.constant 288 : i32
    %add3A_164 = vector.broadcast %add3A_163 : i32 to vector<16xi32>
    %add3A_165 = arith.addi %iota3A, %add3A_164 : vector<16xi32>
    %masked_sort3A_166 = arith.constant dense<true> : vector<16xi1>
    %masked_sort3A_167, %masked_sort3A_168, %masked_sort3A_169 = tpu.sort %get3A_162, %add3A_165 masked %masked_sort3A_166 : (vector<16xf32>, vector<16xi32>, vector<16xi1>) -> (vector<16xi1>, vector<16xf32>, vector<16xi32>)
    %get3A_170 = arith.constant 304 : index
    %get3A_171 = tpu.vector_load %arg5[%get3A_170] {strides = array<i32>} : memref<1024xf32, #tpu.memory_space<vmem>>, vector<16xf32>,
    %add3A_172 = arith.constant 304 : i32
    %add3A_173 = vector.broadcast %add3A_172 : i32 to vector<16xi32>
    %add3A_174 = arith.addi %iota3A, %add3A_173 : vector<16xi32>
    %masked_sort3A_175 = arith.constant dense<true> : vector<16xi1>
    %masked_sort3A_176, %masked_sort3A_177, %masked_sort3A_178 = tpu.sort %get3A_171, %add3A_174 masked %masked_sort3A_175 : (vector<16xf32>, vector<16xi32>, vector<16xi1>) -> (vector<16xi1>, vector<16xf32>, vector<16xi32>)
    %get3A_179 = arith.constant 320 : index
    %get3A_180 = tpu.vector_load %arg5[%get3A_179] {strides = array<i32>} : memref<1024xf32, #tpu.memory_space<vmem>>, vector<16xf32>,
    %add3A_181 = arith.constant 320 : i32
    %add3A_182 = vector.broadcast %add3A_181 : i32 to vector<16xi32>
    %add3A_183 = arith.addi %iota3A, %add3A_182 : vector<16xi32>
    %masked_sort3A_184 = arith.constant dense<true> : vector<16xi1>
    %masked_sort3A_185, %masked_sort3A_186, %masked_sort3A_187 = tpu.sort %get3A_180, %add3A_183 masked %masked_sort3A_184 : (vector<16xf32>, vector<16xi32>, vector<16xi1>) -> (vector<16xi1>, vector<16xf32>, vector<16xi32>)
    %get3A_188 = arith.constant 336 : index
    %get3A_189 = tpu.vector_load %arg5[%get3A_188] {strides = array<i32>} : memref<1024xf32, #tpu.memory_space<vmem>>, vector<16xf32>,
    %add3A_190 = arith.constant 336 : i32
    %add3A_191 = vector.broadcast %add3A_190 : i32 to vector<16xi32>
    %add3A_192 = arith.addi %iota3A, %add3A_191 : vector<16xi32>
    %masked_sort3A_193 = arith.constant dense<true> : vector<16xi1>
    %masked_sort3A_194, %masked_sort3A_195, %masked_sort3A_196 = tpu.sort %get3A_189, %add3A_192 masked %masked_sort3A_193 : (vector<16xf32>, vector<16xi32>, vector<16xi1>) -> (vector<16xi1>, vector<16xf32>, vector<16xi32>)
    %get3A_197 = arith.constant 352 : index
    %get3A_198 = tpu.vector_load %arg5[%get3A_197] {strides = array<i32>} : memref<1024xf32, #tpu.memory_space<vmem>>, vector<16xf32>,
    %add3A_199 = arith.constant 352 : i32
    %add3A_200 = vector.broadcast %add3A_199 : i32 to vector<16xi32>
    %add3A_201 = arith.addi %iota3A, %add3A_200 : vector<16xi32>
    %masked_sort3A_202 = arith.constant dense<true> : vector<16xi1>
    %masked_sort3A_203, %masked_sort3A_204, %masked_sort3A_205 = tpu.sort %get3A_198, %add3A_201 masked %masked_sort3A_202 : (vector<16xf32>, vector<16xi32>, vector<16xi1>) -> (vector<16xi1>, vector<16xf32>, vector<16xi32>)
    %get3A_206 = arith.constant 368 : index
    %get3A_207 = tpu.vector_load %arg5[%get3A_206] {strides = array<i32>} : memref<1024xf32, #tpu.memory_space<vmem>>, vector<16xf32>,
    %add3A_208 = arith.constant 368 : i32
    %add3A_209 = vector.broadcast %add3A_208 : i32 to vector<16xi32>
    %add3A_210 = arith.addi %iota3A, %add3A_209 : vector<16xi32>
    %masked_sort3A_211 = arith.constant dense<true> : vector<16xi1>
    %masked_sort3A_212, %masked_sort3A_213, %masked_sort3A_214 = tpu.sort %get3A_207, %add3A_210 masked %masked_sort3A_211 : (vector<16xf32>, vector<16xi32>, vector<16xi1>) -> (vector<16xi1>, vector<16xf32>, vector<16xi32>)
    %get3A_215 = arith.constant 384 : index
    %get3A_216 = tpu.vector_load %arg5[%get3A_215] {strides = array<i32>} : memref<1024xf32, #tpu.memory_space<vmem>>, vector<16xf32>,
    %add3A_217 = arith.constant 384 : i32
    %add3A_218 = vector.broadcast %add3A_217 : i32 to vector<16xi32>
    %add3A_219 = arith.addi %iota3A, %add3A_218 : vector<16xi32>
    %masked_sort3A_220 = arith.constant dense<true> : vector<16xi1>
    %masked_sort3A_221, %masked_sort3A_222, %masked_sort3A_223 = tpu.sort %get3A_216, %add3A_219 masked %masked_sort3A_220 : (vector<16xf32>, vector<16xi32>, vector<16xi1>) -> (vector<16xi1>, vector<16xf32>, vector<16xi32>)
    %get3A_224 = arith.constant 400 : index
    %get3A_225 = tpu.vector_load %arg5[%get3A_224] {strides = array<i32>} : memref<1024xf32, #tpu.memory_space<vmem>>, vector<16xf32>,
    %add3A_226 = arith.constant 400 : i32
    %add3A_227 = vector.broadcast %add3A_226 : i32 to vector<16xi32>
    %add3A_228 = arith.addi %iota3A, %add3A_227 : vector<16xi32>
    %masked_sort3A_229 = arith.constant dense<true> : vector<16xi1>
    %masked_sort3A_230, %masked_sort3A_231, %masked_sort3A_232 = tpu.sort %get3A_225, %add3A_228 masked %masked_sort3A_229 : (vector<16xf32>, vector<16xi32>, vector<16xi1>) -> (vector<16xi1>, vector<16xf32>, vector<16xi32>)
    %get3A_233 = arith.constant 416 : index
    %get3A_234 = tpu.vector_load %arg5[%get3A_233] {strides = array<i32>} : memref<1024xf32, #tpu.memory_space<vmem>>, vector<16xf32>,
    %add3A_235 = arith.constant 416 : i32
    %add3A_236 = vector.broadcast %add3A_235 : i32 to vector<16xi32>
    %add3A_237 = arith.addi %iota3A, %add3A_236 : vector<16xi32>
    %masked_sort3A_238 = arith.constant dense<true> : vector<16xi1>
    %masked_sort3A_239, %masked_sort3A_240, %masked_sort3A_241 = tpu.sort %get3A_234, %add3A_237 masked %masked_sort3A_238 : (vector<16xf32>, vector<16xi32>, vector<16xi1>) -> (vector<16xi1>, vector<16xf32>, vector<16xi32>)
    %get3A_242 = arith.constant 432 : index
    %get3A_243 = tpu.vector_load %arg5[%get3A_242] {strides = array<i32>} : memref<1024xf32, #tpu.memory_space<vmem>>, vector<16xf32>,
    %add3A_244 = arith.constant 432 : i32
    %add3A_245 = vector.broadcast %add3A_244 : i32 to vector<16xi32>
    %add3A_246 = arith.addi %iota3A, %add3A_245 : vector<16xi32>
    %masked_sort3A_247 = arith.constant dense<true> : vector<16xi1>
    %masked_sort3A_248, %masked_sort3A_249, %masked_sort3A_250 = tpu.sort %get3A_243, %add3A_246 masked %masked_sort3A_247 : (vector<16xf32>, vector<16xi32>, vector<16xi1>) -> (vector<16xi1>, vector<16xf32>, vector<16xi32>)
    %get3A_251 = arith.constant 448 : index
    %get3A_252 = tpu.vector_load %arg5[%get3A_251] {strides = array<i32>} : memref<1024xf32, #tpu.memory_space<vmem>>, vector<16xf32>,
    %add3A_253 = arith.constant 448 : i32
    %add3A_254 = vector.broadcast %add3A_253 : i32 to vector<16xi32>
    %add3A_255 = arith.addi %iota3A, %add3A_254 : vector<16xi32>
    %masked_sort3A_256 = arith.constant dense<true> : vector<16xi1>
    %masked_sort3A_257, %masked_sort3A_258, %masked_sort3A_259 = tpu.sort %get3A_252, %add3A_255 masked %masked_sort3A_256 : (vector<16xf32>, vector<16xi32>, vector<16xi1>) -> (vector<16xi1>, vector<16xf32>, vector<16xi32>)
    %get3A_260 = arith.constant 464 : index
    %get3A_261 = tpu.vector_load %arg5[%get3A_260] {strides = array<i32>} : memref<1024xf32, #tpu.memory_space<vmem>>, vector<16xf32>,
    %add3A_262 = arith.constant 464 : i32
    %add3A_263 = vector.broadcast %add3A_262 : i32 to vector<16xi32>
    %add3A_264 = arith.addi %iota3A, %add3A_263 : vector<16xi32>
    %masked_sort3A_265 = arith.constant dense<true> : vector<16xi1>
    %masked_sort3A_266, %masked_sort3A_267, %masked_sort3A_268 = tpu.sort %get3A_261, %add3A_264 masked %masked_sort3A_265 : (vector<16xf32>, vector<16xi32>, vector<16xi1>) -> (vector<16xi1>, vector<16xf32>, vector<16xi32>)
    %get3A_269 = arith.constant 480 : index
    %get3A_270 = tpu.vector_load %arg5[%get3A_269] {strides = array<i32>} : memref<1024xf32, #tpu.memory_space<vmem>>, vector<16xf32>,
    %add3A_271 = arith.constant 480 : i32
    %add3A_272 = vector.broadcast %add3A_271 : i32 to vector<16xi32>
    %add3A_273 = arith.addi %iota3A, %add3A_272 : vector<16xi32>
    %masked_sort3A_274 = arith.constant dense<true> : vector<16xi1>
    %masked_sort3A_275, %masked_sort3A_276, %masked_sort3A_277 = tpu.sort %get3A_270, %add3A_273 masked %masked_sort3A_274 : (vector<16xf32>, vector<16xi32>, vector<16xi1>) -> (vector<16xi1>, vector<16xf32>, vector<16xi32>)
    %get3A_278 = arith.constant 496 : index
    %get3A_279 = tpu.vector_load %arg5[%get3A_278] {strides = array<i32>} : memref<1024xf32, #tpu.memory_space<vmem>>, vector<16xf32>,
    %add3A_280 = arith.constant 496 : i32
    %add3A_281 = vector.broadcast %add3A_280 : i32 to vector<16xi32>
    %add3A_282 = arith.addi %iota3A, %add3A_281 : vector<16xi32>
    %masked_sort3A_283 = arith.constant dense<true> : vector<16xi1>
    %masked_sort3A_284, %masked_sort3A_285, %masked_sort3A_286 = tpu.sort %get3A_279, %add3A_282 masked %masked_sort3A_283 : (vector<16xf32>, vector<16xi32>, vector<16xi1>) -> (vector<16xi1>, vector<16xf32>, vector<16xi32>)
    %get3A_287 = arith.constant 512 : index
    %get3A_288 = tpu.vector_load %arg5[%get3A_287] {strides = array<i32>} : memref<1024xf32, #tpu.memory_space<vmem>>, vector<16xf32>,
    %add3A_289 = arith.constant 512 : i32
    %add3A_290 = vector.broadcast %add3A_289 : i32 to vector<16xi32>
    %add3A_291 = arith.addi %iota3A, %add3A_290 : vector<16xi32>
    %masked_sort3A_292 = arith.constant dense<true> : vector<16xi1>
    %masked_sort3A_293, %masked_sort3A_294, %masked_sort3A_295 = tpu.sort %get3A_288, %add3A_291 masked %masked_sort3A_292 : (vector<16xf32>, vector<16xi32>, vector<16xi1>) -> (vector<16xi1>, vector<16xf32>, vector<16xi32>)
    %get3A_296 = arith.constant 528 : index
    %get3A_297 = tpu.vector_load %arg5[%get3A_296] {strides = array<i32>} : memref<1024xf32, #tpu.memory_space<vmem>>, vector<16xf32>,
    %add3A_298 = arith.constant 528 : i32
    %add3A_299 = vector.broadcast %add3A_298 : i32 to vector<16xi32>
    %add3A_300 = arith.addi %iota3A, %add3A_299 : vector<16xi32>
    %masked_sort3A_301 = arith.constant dense<true> : vector<16xi1>
    %masked_sort3A_302, %masked_sort3A_303, %masked_sort3A_304 = tpu.sort %get3A_297, %add3A_300 masked %masked_sort3A_301 : (vector<16xf32>, vector<16xi32>, vector<16xi1>) -> (vector<16xi1>, vector<16xf32>, vector<16xi32>)
    %get3A_305 = arith.constant 544 : index
    %get3A_306 = tpu.vector_load %arg5[%get3A_305] {strides = array<i32>} : memref<1024xf32, #tpu.memory_space<vmem>>, vector<16xf32>,
    %add3A_307 = arith.constant 544 : i32
    %add3A_308 = vector.broadcast %add3A_307 : i32 to vector<16xi32>
    %add3A_309 = arith.addi %iota3A, %add3A_308 : vector<16xi32>
    %masked_sort3A_310 = arith.constant dense<true> : vector<16xi1>
    %masked_sort3A_311, %masked_sort3A_312, %masked_sort3A_313 = tpu.sort %get3A_306, %add3A_309 masked %masked_sort3A_310 : (vector<16xf32>, vector<16xi32>, vector<16xi1>) -> (vector<16xi1>, vector<16xf32>, vector<16xi32>)
    %get3A_314 = arith.constant 560 : index
    %get3A_315 = tpu.vector_load %arg5[%get3A_314] {strides = array<i32>} : memref<1024xf32, #tpu.memory_space<vmem>>, vector<16xf32>,
    %add3A_316 = arith.constant 560 : i32
    %add3A_317 = vector.broadcast %add3A_316 : i32 to vector<16xi32>
    %add3A_318 = arith.addi %iota3A, %add3A_317 : vector<16xi32>
    %masked_sort3A_319 = arith.constant dense<true> : vector<16xi1>
    %masked_sort3A_320, %masked_sort3A_321, %masked_sort3A_322 = tpu.sort %get3A_315, %add3A_318 masked %masked_sort3A_319 : (vector<16xf32>, vector<16xi32>, vector<16xi1>) -> (vector<16xi1>, vector<16xf32>, vector<16xi32>)
    %get3A_323 = arith.constant 576 : index
    %get3A_324 = tpu.vector_load %arg5[%get3A_323] {strides = array<i32>} : memref<1024xf32, #tpu.memory_space<vmem>>, vector<16xf32>,
    %add3A_325 = arith.constant 576 : i32
    %add3A_326 = vector.broadcast %add3A_325 : i32 to vector<16xi32>
    %add3A_327 = arith.addi %iota3A, %add3A_326 : vector<16xi32>
    %masked_sort3A_328 = arith.constant dense<true> : vector<16xi1>
    %masked_sort3A_329, %masked_sort3A_330, %masked_sort3A_331 = tpu.sort %get3A_324, %add3A_327 masked %masked_sort3A_328 : (vector<16xf32>, vector<16xi32>, vector<16xi1>) -> (vector<16xi1>, vector<16xf32>, vector<16xi32>)
    %get3A_332 = arith.constant 592 : index
    %get3A_333 = tpu.vector_load %arg5[%get3A_332] {strides = array<i32>} : memref<1024xf32, #tpu.memory_space<vmem>>, vector<16xf32>,
    %add3A_334 = arith.constant 592 : i32
    %add3A_335 = vector.broadcast %add3A_334 : i32 to vector<16xi32>
    %add3A_336 = arith.addi %iota3A, %add3A_335 : vector<16xi32>
    %masked_sort3A_337 = arith.constant dense<true> : vector<16xi1>
    %masked_sort3A_338, %masked_sort3A_339, %masked_sort3A_340 = tpu.sort %get3A_333, %add3A_336 masked %masked_sort3A_337 : (vector<16xf32>, vector<16xi32>, vector<16xi1>) -> (vector<16xi1>, vector<16xf32>, vector<16xi32>)
    %get3A_341 = arith.constant 608 : index
    %get3A_342 = tpu.vector_load %arg5[%get3A_341] {strides = array<i32>} : memref<1024xf32, #tpu.memory_space<vmem>>, vector<16xf32>,
    %add3A_343 = arith.constant 608 : i32
    %add3A_344 = vector.broadcast %add3A_343 : i32 to vector<16xi32>
    %add3A_345 = arith.addi %iota3A, %add3A_344 : vector<16xi32>
    %masked_sort3A_346 = arith.constant dense<true> : vector<16xi1>
    %masked_sort3A_347, %masked_sort3A_348, %masked_sort3A_349 = tpu.sort %get3A_342, %add3A_345 masked %masked_sort3A_346 : (vector<16xf32>, vector<16xi32>, vector<16xi1>) -> (vector<16xi1>, vector<16xf32>, vector<16xi32>)
    %get3A_350 = arith.constant 624 : index
    %get3A_351 = tpu.vector_load %arg5[%get3A_350] {strides = array<i32>} : memref<1024xf32, #tpu.memory_space<vmem>>, vector<16xf32>,
    %add3A_352 = arith.constant 624 : i32
    %add3A_353 = vector.broadcast %add3A_352 : i32 to vector<16xi32>
    %add3A_354 = arith.addi %iota3A, %add3A_353 : vector<16xi32>
    %masked_sort3A_355 = arith.constant dense<true> : vector<16xi1>
    %masked_sort3A_356, %masked_sort3A_357, %masked_sort3A_358 = tpu.sort %get3A_351, %add3A_354 masked %masked_sort3A_355 : (vector<16xf32>, vector<16xi32>, vector<16xi1>) -> (vector<16xi1>, vector<16xf32>, vector<16xi32>)
    %get3A_359 = arith.constant 640 : index
    %get3A_360 = tpu.vector_load %arg5[%get3A_359] {strides = array<i32>} : memref<1024xf32, #tpu.memory_space<vmem>>, vector<16xf32>,
    %add3A_361 = arith.constant 640 : i32
    %add3A_362 = vector.broadcast %add3A_361 : i32 to vector<16xi32>
    %add3A_363 = arith.addi %iota3A, %add3A_362 : vector<16xi32>
    %masked_sort3A_364 = arith.constant dense<true> : vector<16xi1>
    %masked_sort3A_365, %masked_sort3A_366, %masked_sort3A_367 = tpu.sort %get3A_360, %add3A_363 masked %masked_sort3A_364 : (vector<16xf32>, vector<16xi32>, vector<16xi1>) -> (vector<16xi1>, vector<16xf32>, vector<16xi32>)
    %get3A_368 = arith.constant 656 : index
    %get3A_369 = tpu.vector_load %arg5[%get3A_368] {strides = array<i32>} : memref<1024xf32, #tpu.memory_space<vmem>>, vector<16xf32>,
    %add3A_370 = arith.constant 656 : i32
    %add3A_371 = vector.broadcast %add3A_370 : i32 to vector<16xi32>
    %add3A_372 = arith.addi %iota3A, %add3A_371 : vector<16xi32>
    %masked_sort3A_373 = arith.constant dense<true> : vector<16xi1>
    %masked_sort3A_374, %masked_sort3A_375, %masked_sort3A_376 = tpu.sort %get3A_369, %add3A_372 masked %masked_sort3A_373 : (vector<16xf32>, vector<16xi32>, vector<16xi1>) -> (vector<16xi1>, vector<16xf32>, vector<16xi32>)
    %get3A_377 = arith.constant 672 : index
    %get3A_378 = tpu.vector_load %arg5[%get3A_377] {strides = array<i32>} : memref<1024xf32, #tpu.memory_space<vmem>>, vector<16xf32>,
    %add3A_379 = arith.constant 672 : i32
    %add3A_380 = vector.broadcast %add3A_379 : i32 to vector<16xi32>
    %add3A_381 = arith.addi %iota3A, %add3A_380 : vector<16xi32>
    %masked_sort3A_382 = arith.constant dense<true> : vector<16xi1>
    %masked_sort3A_383, %masked_sort3A_384, %masked_sort3A_385 = tpu.sort %get3A_378, %add3A_381 masked %masked_sort3A_382 : (vector<16xf32>, vector<16xi32>, vector<16xi1>) -> (vector<16xi1>, vector<16xf32>, vector<16xi32>)
    %get3A_386 = arith.constant 688 : index
    %get3A_387 = tpu.vector_load %arg5[%get3A_386] {strides = array<i32>} : memref<1024xf32, #tpu.memory_space<vmem>>, vector<16xf32>,
    %add3A_388 = arith.constant 688 : i32
    %add3A_389 = vector.broadcast %add3A_388 : i32 to vector<16xi32>
    %add3A_390 = arith.addi %iota3A, %add3A_389 : vector<16xi32>
    %masked_sort3A_391 = arith.constant dense<true> : vector<16xi1>
    %masked_sort3A_392, %masked_sort3A_393, %masked_sort3A_394 = tpu.sort %get3A_387, %add3A_390 masked %masked_sort3A_391 : (vector<16xf32>, vector<16xi32>, vector<16xi1>) -> (vector<16xi1>, vector<16xf32>, vector<16xi32>)
    %get3A_395 = arith.constant 704 : index
    %get3A_396 = tpu.vector_load %arg5[%get3A_395] {strides = array<i32>} : memref<1024xf32, #tpu.memory_space<vmem>>, vector<16xf32>,
    %add3A_397 = arith.constant 704 : i32
    %add3A_398 = vector.broadcast %add3A_397 : i32 to vector<16xi32>
    %add3A_399 = arith.addi %iota3A, %add3A_398 : vector<16xi32>
    %masked_sort3A_400 = arith.constant dense<true> : vector<16xi1>
    %masked_sort3A_401, %masked_sort3A_402, %masked_sort3A_403 = tpu.sort %get3A_396, %add3A_399 masked %masked_sort3A_400 : (vector<16xf32>, vector<16xi32>, vector<16xi1>) -> (vector<16xi1>, vector<16xf32>, vector<16xi32>)
    %get3A_404 = arith.constant 720 : index
    %get3A_405 = tpu.vector_load %arg5[%get3A_404] {strides = array<i32>} : memref<1024xf32, #tpu.memory_space<vmem>>, vector<16xf32>,
    %add3A_406 = arith.constant 720 : i32
    %add3A_407 = vector.broadcast %add3A_406 : i32 to vector<16xi32>
    %add3A_408 = arith.addi %iota3A, %add3A_407 : vector<16xi32>
    %masked_sort3A_409 = arith.constant dense<true> : vector<16xi1>
    %masked_sort3A_410, %masked_sort3A_411, %masked_sort3A_412 = tpu.sort %get3A_405, %add3A_408 masked %masked_sort3A_409 : (vector<16xf32>, vector<16xi32>, vector<16xi1>) -> (vector<16xi1>, vector<16xf32>, vector<16xi32>)
    %get3A_413 = arith.constant 736 : index
    %get3A_414 = tpu.vector_load %arg5[%get3A_413] {strides = array<i32>} : memref<1024xf32, #tpu.memory_space<vmem>>, vector<16xf32>,
    %add3A_415 = arith.constant 736 : i32
    %add3A_416 = vector.broadcast %add3A_415 : i32 to vector<16xi32>
    %add3A_417 = arith.addi %iota3A, %add3A_416 : vector<16xi32>
    %masked_sort3A_418 = arith.constant dense<true> : vector<16xi1>
    %masked_sort3A_419, %masked_sort3A_420, %masked_sort3A_421 = tpu.sort %get3A_414, %add3A_417 masked %masked_sort3A_418 : (vector<16xf32>, vector<16xi32>, vector<16xi1>) -> (vector<16xi1>, vector<16xf32>, vector<16xi32>)
    %get3A_422 = arith.constant 752 : index
    %get3A_423 = tpu.vector_load %arg5[%get3A_422] {strides = array<i32>} : memref<1024xf32, #tpu.memory_space<vmem>>, vector<16xf32>,
    %add3A_424 = arith.constant 752 : i32
    %add3A_425 = vector.broadcast %add3A_424 : i32 to vector<16xi32>
    %add3A_426 = arith.addi %iota3A, %add3A_425 : vector<16xi32>
    %masked_sort3A_427 = arith.constant dense<true> : vector<16xi1>
    %masked_sort3A_428, %masked_sort3A_429, %masked_sort3A_430 = tpu.sort %get3A_423, %add3A_426 masked %masked_sort3A_427 : (vector<16xf32>, vector<16xi32>, vector<16xi1>) -> (vector<16xi1>, vector<16xf32>, vector<16xi32>)
    %get3A_431 = arith.constant 768 : index
    %get3A_432 = tpu.vector_load %arg5[%get3A_431] {strides = array<i32>} : memref<1024xf32, #tpu.memory_space<vmem>>, vector<16xf32>,
    %add3A_433 = arith.constant 768 : i32
    %add3A_434 = vector.broadcast %add3A_433 : i32 to vector<16xi32>
    %add3A_435 = arith.addi %iota3A, %add3A_434 : vector<16xi32>
    %masked_sort3A_436 = arith.constant dense<true> : vector<16xi1>
    %masked_sort3A_437, %masked_sort3A_438, %masked_sort3A_439 = tpu.sort %get3A_432, %add3A_435 masked %masked_sort3A_436 : (vector<16xf32>, vector<16xi32>, vector<16xi1>) -> (vector<16xi1>, vector<16xf32>, vector<16xi32>)
    %get3A_440 = arith.constant 784 : index
    %get3A_441 = tpu.vector_load %arg5[%get3A_440] {strides = array<i32>} : memref<1024xf32, #tpu.memory_space<vmem>>, vector<16xf32>,
    %add3A_442 = arith.constant 784 : i32
    %add3A_443 = vector.broadcast %add3A_442 : i32 to vector<16xi32>
    %add3A_444 = arith.addi %iota3A, %add3A_443 : vector<16xi32>
    %masked_sort3A_445 = arith.constant dense<true> : vector<16xi1>
    %masked_sort3A_446, %masked_sort3A_447, %masked_sort3A_448 = tpu.sort %get3A_441, %add3A_444 masked %masked_sort3A_445 : (vector<16xf32>, vector<16xi32>, vector<16xi1>) -> (vector<16xi1>, vector<16xf32>, vector<16xi32>)
    %get3A_449 = arith.constant 800 : index
    %get3A_450 = tpu.vector_load %arg5[%get3A_449] {strides = array<i32>} : memref<1024xf32, #tpu.memory_space<vmem>>, vector<16xf32>,
    %add3A_451 = arith.constant 800 : i32
    %add3A_452 = vector.broadcast %add3A_451 : i32 to vector<16xi32>
    %add3A_453 = arith.addi %iota3A, %add3A_452 : vector<16xi32>
    %masked_sort3A_454 = arith.constant dense<true> : vector<16xi1>
    %masked_sort3A_455, %masked_sort3A_456, %masked_sort3A_457 = tpu.sort %get3A_450, %add3A_453 masked %masked_sort3A_454 : (vector<16xf32>, vector<16xi32>, vector<16xi1>) -> (vector<16xi1>, vector<16xf32>, vector<16xi32>)
    %get3A_458 = arith.constant 816 : index
    %get3A_459 = tpu.vector_load %arg5[%get3A_458] {strides = array<i32>} : memref<1024xf32, #tpu.memory_space<vmem>>, vector<16xf32>,
    %add3A_460 = arith.constant 816 : i32
    %add3A_461 = vector.broadcast %add3A_460 : i32 to vector<16xi32>
    %add3A_462 = arith.addi %iota3A, %add3A_461 : vector<16xi32>
    %masked_sort3A_463 = arith.constant dense<true> : vector<16xi1>
    %masked_sort3A_464, %masked_sort3A_465, %masked_sort3A_466 = tpu.sort %get3A_459, %add3A_462 masked %masked_sort3A_463 : (vector<16xf32>, vector<16xi32>, vector<16xi1>) -> (vector<16xi1>, vector<16xf32>, vector<16xi32>)
    %get3A_467 = arith.constant 832 : index
    %get3A_468 = tpu.vector_load %arg5[%get3A_467] {strides = array<i32>} : memref<1024xf32, #tpu.memory_space<vmem>>, vector<16xf32>,
    %add3A_469 = arith.constant 832 : i32
    %add3A_470 = vector.broadcast %add3A_469 : i32 to vector<16xi32>
    %add3A_471 = arith.addi %iota3A, %add3A_470 : vector<16xi32>
    %masked_sort3A_472 = arith.constant dense<true> : vector<16xi1>
    %masked_sort3A_473, %masked_sort3A_474, %masked_sort3A_475 = tpu.sort %get3A_468, %add3A_471 masked %masked_sort3A_472 : (vector<16xf32>, vector<16xi32>, vector<16xi1>) -> (vector<16xi1>, vector<16xf32>, vector<16xi32>)
    %get3A_476 = arith.constant 848 : index
    %get3A_477 = tpu.vector_load %arg5[%get3A_476] {strides = array<i32>} : memref<1024xf32, #tpu.memory_space<vmem>>, vector<16xf32>,
    %add3A_478 = arith.constant 848 : i32
    %add3A_479 = vector.broadcast %add3A_478 : i32 to vector<16xi32>
    %add3A_480 = arith.addi %iota3A, %add3A_479 : vector<16xi32>
    %masked_sort3A_481 = arith.constant dense<true> : vector<16xi1>
    %masked_sort3A_482, %masked_sort3A_483, %masked_sort3A_484 = tpu.sort %get3A_477, %add3A_480 masked %masked_sort3A_481 : (vector<16xf32>, vector<16xi32>, vector<16xi1>) -> (vector<16xi1>, vector<16xf32>, vector<16xi32>)
    %get3A_485 = arith.constant 864 : index
    %get3A_486 = tpu.vector_load %arg5[%get3A_485] {strides = array<i32>} : memref<1024xf32, #tpu.memory_space<vmem>>, vector<16xf32>,
    %add3A_487 = arith.constant 864 : i32
    %add3A_488 = vector.broadcast %add3A_487 : i32 to vector<16xi32>
    %add3A_489 = arith.addi %iota3A, %add3A_488 : vector<16xi32>
    %masked_sort3A_490 = arith.constant dense<true> : vector<16xi1>
    %masked_sort3A_491, %masked_sort3A_492, %masked_sort3A_493 = tpu.sort %get3A_486, %add3A_489 masked %masked_sort3A_490 : (vector<16xf32>, vector<16xi32>, vector<16xi1>) -> (vector<16xi1>, vector<16xf32>, vector<16xi32>)
    %get3A_494 = arith.constant 880 : index
    %get3A_495 = tpu.vector_load %arg5[%get3A_494] {strides = array<i32>} : memref<1024xf32, #tpu.memory_space<vmem>>, vector<16xf32>,
    %add3A_496 = arith.constant 880 : i32
    %add3A_497 = vector.broadcast %add3A_496 : i32 to vector<16xi32>
    %add3A_498 = arith.addi %iota3A, %add3A_497 : vector<16xi32>
    %masked_sort3A_499 = arith.constant dense<true> : vector<16xi1>
    %masked_sort3A_500, %masked_sort3A_501, %masked_sort3A_502 = tpu.sort %get3A_495, %add3A_498 masked %masked_sort3A_499 : (vector<16xf32>, vector<16xi32>, vector<16xi1>) -> (vector<16xi1>, vector<16xf32>, vector<16xi32>)
    %get3A_503 = arith.constant 896 : index
    %get3A_504 = tpu.vector_load %arg5[%get3A_503] {strides = array<i32>} : memref<1024xf32, #tpu.memory_space<vmem>>, vector<16xf32>,
    %add3A_505 = arith.constant 896 : i32
    %add3A_506 = vector.broadcast %add3A_505 : i32 to vector<16xi32>
    %add3A_507 = arith.addi %iota3A, %add3A_506 : vector<16xi32>
    %masked_sort3A_508 = arith.constant dense<true> : vector<16xi1>
    %masked_sort3A_509, %masked_sort3A_510, %masked_sort3A_511 = tpu.sort %get3A_504, %add3A_507 masked %masked_sort3A_508 : (vector<16xf32>, vector<16xi32>, vector<16xi1>) -> (vector<16xi1>, vector<16xf32>, vector<16xi32>)
    %get3A_512 = arith.constant 912 : index
    %get3A_513 = tpu.vector_load %arg5[%get3A_512] {strides = array<i32>} : memref<1024xf32, #tpu.memory_space<vmem>>, vector<16xf32>,
    %add3A_514 = arith.constant 912 : i32
    %add3A_515 = vector.broadcast %add3A_514 : i32 to vector<16xi32>
    %add3A_516 = arith.addi %iota3A, %add3A_515 : vector<16xi32>
    %masked_sort3A_517 = arith.constant dense<true> : vector<16xi1>
    %masked_sort3A_518, %masked_sort3A_519, %masked_sort3A_520 = tpu.sort %get3A_513, %add3A_516 masked %masked_sort3A_517 : (vector<16xf32>, vector<16xi32>, vector<16xi1>) -> (vector<16xi1>, vector<16xf32>, vector<16xi32>)
    %get3A_521 = arith.constant 928 : index
    %get3A_522 = tpu.vector_load %arg5[%get3A_521] {strides = array<i32>} : memref<1024xf32, #tpu.memory_space<vmem>>, vector<16xf32>,
    %add3A_523 = arith.constant 928 : i32
    %add3A_524 = vector.broadcast %add3A_523 : i32 to vector<16xi32>
    %add3A_525 = arith.addi %iota3A, %add3A_524 : vector<16xi32>
    %masked_sort3A_526 = arith.constant dense<true> : vector<16xi1>
    %masked_sort3A_527, %masked_sort3A_528, %masked_sort3A_529 = tpu.sort %get3A_522, %add3A_525 masked %masked_sort3A_526 : (vector<16xf32>, vector<16xi32>, vector<16xi1>) -> (vector<16xi1>, vector<16xf32>, vector<16xi32>)
    %get3A_530 = arith.constant 944 : index
    %get3A_531 = tpu.vector_load %arg5[%get3A_530] {strides = array<i32>} : memref<1024xf32, #tpu.memory_space<vmem>>, vector<16xf32>,
    %add3A_532 = arith.constant 944 : i32
    %add3A_533 = vector.broadcast %add3A_532 : i32 to vector<16xi32>
    %add3A_534 = arith.addi %iota3A, %add3A_533 : vector<16xi32>
    %masked_sort3A_535 = arith.constant dense<true> : vector<16xi1>
    %masked_sort3A_536, %masked_sort3A_537, %masked_sort3A_538 = tpu.sort %get3A_531, %add3A_534 masked %masked_sort3A_535 : (vector<16xf32>, vector<16xi32>, vector<16xi1>) -> (vector<16xi1>, vector<16xf32>, vector<16xi32>)
    %get3A_539 = arith.constant 960 : index
    %get3A_540 = tpu.vector_load %arg5[%get3A_539] {strides = array<i32>} : memref<1024xf32, #tpu.memory_space<vmem>>, vector<16xf32>,
    %add3A_541 = arith.constant 960 : i32
    %add3A_542 = vector.broadcast %add3A_541 : i32 to vector<16xi32>
    %add3A_543 = arith.addi %iota3A, %add3A_542 : vector<16xi32>
    %masked_sort3A_544 = arith.constant dense<true> : vector<16xi1>
    %masked_sort3A_545, %masked_sort3A_546, %masked_sort3A_547 = tpu.sort %get3A_540, %add3A_543 masked %masked_sort3A_544 : (vector<16xf32>, vector<16xi32>, vector<16xi1>) -> (vector<16xi1>, vector<16xf32>, vector<16xi32>)
    %get3A_548 = arith.constant 976 : index
    %get3A_549 = tpu.vector_load %arg5[%get3A_548] {strides = array<i32>} : memref<1024xf32, #tpu.memory_space<vmem>>, vector<16xf32>,
    %add3A_550 = arith.constant 976 : i32
    %add3A_551 = vector.broadcast %add3A_550 : i32 to vector<16xi32>
    %add3A_552 = arith.addi %iota3A, %add3A_551 : vector<16xi32>
    %masked_sort3A_553 = arith.constant dense<true> : vector<16xi1>
    %masked_sort3A_554, %masked_sort3A_555, %masked_sort3A_556 = tpu.sort %get3A_549, %add3A_552 masked %masked_sort3A_553 : (vector<16xf32>, vector<16xi32>, vector<16xi1>) -> (vector<16xi1>, vector<16xf32>, vector<16xi32>)
    %get3A_557 = arith.constant 992 : index
    %get3A_558 = tpu.vector_load %arg5[%get3A_557] {strides = array<i32>} : memref<1024xf32, #tpu.memory_space<vmem>>, vector<16xf32>,
    %add3A_559 = arith.constant 992 : i32
    %add3A_560 = vector.broadcast %add3A_559 : i32 to vector<16xi32>
    %add3A_561 = arith.addi %iota3A, %add3A_560 : vector<16xi32>
    %masked_sort3A_562 = arith.constant dense<true> : vector<16xi1>
    %masked_sort3A_563, %masked_sort3A_564, %masked_sort3A_565 = tpu.sort %get3A_558, %add3A_561 masked %masked_sort3A_562 : (vector<16xf32>, vector<16xi32>, vector<16xi1>) -> (vector<16xi1>, vector<16xf32>, vector<16xi32>)
    %get3A_566 = arith.constant 1008 : index
    %get3A_567 = tpu.vector_load %arg5[%get3A_566] {strides = array<i32>} : memref<1024xf32, #tpu.memory_space<vmem>>, vector<16xf32>,
    %add3A_568 = arith.constant 1008 : i32
    %add3A_569 = vector.broadcast %add3A_568 : i32 to vector<16xi32>
    %add3A_570 = arith.addi %iota3A, %add3A_569 : vector<16xi32>
    %masked_sort3A_571 = arith.constant dense<true> : vector<16xi1>
    %masked_sort3A_572, %masked_sort3A_573, %masked_sort3A_574 = tpu.sort %get3A_567, %add3A_570 masked %masked_sort3A_571 : (vector<16xf32>, vector<16xi32>, vector<16xi1>) -> (vector<16xi1>, vector<16xf32>, vector<16xi32>)
    %rev3A = arith.constant 15 : i32
    %rev3A_575 = vector.broadcast %rev3A : i32 to vector<16xi32>
    %rev3A_576 = tpu.iota {dimensions = array<i32: 0>} : vector<16xi32>
    %rev3A_577 = arith.subi %rev3A_575, %rev3A_576 : vector<16xi32>
    %rev3A_578 = tpu.dynamic_gather %masked_sort3A_15[%rev3A_577] in [0] : vector<16xf32>, vector<16xi32> -> vector<16xf32>
    %rev3A_579 = arith.constant 15 : i32
    %rev3A_580 = vector.broadcast %rev3A_579 : i32 to vector<16xi32>
    %rev3A_581 = tpu.iota {dimensions = array<i32: 0>} : vector<16xi32>
    %rev3A_582 = arith.subi %rev3A_580, %rev3A_581 : vector<16xi32>
    %rev3A_583 = tpu.dynamic_gather %masked_sort3A_16[%rev3A_582] in [0] : vector<16xi32>, vector<16xi32> -> vector<16xi32>
    %le3A = arith.cmpf ole, %masked_sort3A_6, %rev3A_578 : vector<16xf32>
    %select_n3A = arith.select %le3A, %masked_sort3A_6, %rev3A_578 : vector<16xi1>, vector<16xf32>
    %select_n3A_584 = arith.select %le3A, %masked_sort3A_7, %rev3A_583 : vector<16xi1>, vector<16xi32>
    %masked_sort3A_585 = arith.constant dense<true> : vector<16xi1>
    %masked_sort3A_586, %masked_sort3A_587, %masked_sort3A_588 = tpu.sort %select_n3A, %select_n3A_584 masked %masked_sort3A_585 : (vector<16xf32>, vector<16xi32>, vector<16xi1>) -> (vector<16xi1>, vector<16xf32>, vector<16xi32>)
    %rev3A_589 = arith.constant 15 : i32
    %rev3A_590 = vector.broadcast %rev3A_589 : i32 to vector<16xi32>
    %rev3A_591 = tpu.iota {dimensions = array<i32: 0>} : vector<16xi32>
    %rev3A_592 = arith.subi %rev3A_590, %rev3A_591 : vector<16xi32>
    %rev3A_593 = tpu.dynamic_gather %masked_sort3A_33[%rev3A_592] in [0] : vector<16xf32>, vector<16xi32> -> vector<16xf32>
    %rev3A_594 = arith.constant 15 : i32
    %rev3A_595 = vector.broadcast %rev3A_594 : i32 to vector<16xi32>
    %rev3A_596 = tpu.iota {dimensions = array<i32: 0>} : vector<16xi32>
    %rev3A_597 = arith.subi %rev3A_595, %rev3A_596 : vector<16xi32>
    %rev3A_598 = tpu.dynamic_gather %masked_sort3A_34[%rev3A_597] in [0] : vector<16xi32>, vector<16xi32> -> vector<16xi32>
    %le3A_599 = arith.cmpf ole, %masked_sort3A_24, %rev3A_593 : vector<16xf32>
    %select_n3A_600 = arith.select %le3A_599, %masked_sort3A_24, %rev3A_593 : vector<16xi1>, vector<16xf32>
    %select_n3A_601 = arith.select %le3A_599, %masked_sort3A_25, %rev3A_598 : vector<16xi1>, vector<16xi32>
    %masked_sort3A_602 = arith.constant dense<true> : vector<16xi1>
    %masked_sort3A_603, %masked_sort3A_604, %masked_sort3A_605 = tpu.sort %select_n3A_600, %select_n3A_601 masked %masked_sort3A_602 : (vector<16xf32>, vector<16xi32>, vector<16xi1>) -> (vector<16xi1>, vector<16xf32>, vector<16xi32>)
    %rev3A_606 = arith.constant 15 : i32
    %rev3A_607 = vector.broadcast %rev3A_606 : i32 to vector<16xi32>
    %rev3A_608 = tpu.iota {dimensions = array<i32: 0>} : vector<16xi32>
    %rev3A_609 = arith.subi %rev3A_607, %rev3A_608 : vector<16xi32>
    %rev3A_610 = tpu.dynamic_gather %masked_sort3A_51[%rev3A_609] in [0] : vector<16xf32>, vector<16xi32> -> vector<16xf32>
    %rev3A_611 = arith.constant 15 : i32
    %rev3A_612 = vector.broadcast %rev3A_611 : i32 to vector<16xi32>
    %rev3A_613 = tpu.iota {dimensions = array<i32: 0>} : vector<16xi32>
    %rev3A_614 = arith.subi %rev3A_612, %rev3A_613 : vector<16xi32>
    %rev3A_615 = tpu.dynamic_gather %masked_sort3A_52[%rev3A_614] in [0] : vector<16xi32>, vector<16xi32> -> vector<16xi32>
    %le3A_616 = arith.cmpf ole, %masked_sort3A_42, %rev3A_610 : vector<16xf32>
    %select_n3A_617 = arith.select %le3A_616, %masked_sort3A_42, %rev3A_610 : vector<16xi1>, vector<16xf32>
    %select_n3A_618 = arith.select %le3A_616, %masked_sort3A_43, %rev3A_615 : vector<16xi1>, vector<16xi32>
    %masked_sort3A_619 = arith.constant dense<true> : vector<16xi1>
    %masked_sort3A_620, %masked_sort3A_621, %masked_sort3A_622 = tpu.sort %select_n3A_617, %select_n3A_618 masked %masked_sort3A_619 : (vector<16xf32>, vector<16xi32>, vector<16xi1>) -> (vector<16xi1>, vector<16xf32>, vector<16xi32>)
    %rev3A_623 = arith.constant 15 : i32
    %rev3A_624 = vector.broadcast %rev3A_623 : i32 to vector<16xi32>
    %rev3A_625 = tpu.iota {dimensions = array<i32: 0>} : vector<16xi32>
    %rev3A_626 = arith.subi %rev3A_624, %rev3A_625 : vector<16xi32>
    %rev3A_627 = tpu.dynamic_gather %masked_sort3A_69[%rev3A_626] in [0] : vector<16xf32>, vector<16xi32> -> vector<16xf32>
    %rev3A_628 = arith.constant 15 : i32
    %rev3A_629 = vector.broadcast %rev3A_628 : i32 to vector<16xi32>
    %rev3A_630 = tpu.iota {dimensions = array<i32: 0>} : vector<16xi32>
    %rev3A_631 = arith.subi %rev3A_629, %rev3A_630 : vector<16xi32>
    %rev3A_632 = tpu.dynamic_gather %masked_sort3A_70[%rev3A_631] in [0] : vector<16xi32>, vector<16xi32> -> vector<16xi32>
    %le3A_633 = arith.cmpf ole, %masked_sort3A_60, %rev3A_627 : vector<16xf32>
    %select_n3A_634 = arith.select %le3A_633, %masked_sort3A_60, %rev3A_627 : vector<16xi1>, vector<16xf32>
    %select_n3A_635 = arith.select %le3A_633, %masked_sort3A_61, %rev3A_632 : vector<16xi1>, vector<16xi32>
    %masked_sort3A_636 = arith.constant dense<true> : vector<16xi1>
    %masked_sort3A_637, %masked_sort3A_638, %masked_sort3A_639 = tpu.sort %select_n3A_634, %select_n3A_635 masked %masked_sort3A_636 : (vector<16xf32>, vector<16xi32>, vector<16xi1>) -> (vector<16xi1>, vector<16xf32>, vector<16xi32>)
    %rev3A_640 = arith.constant 15 : i32
    %rev3A_641 = vector.broadcast %rev3A_640 : i32 to vector<16xi32>
    %rev3A_642 = tpu.iota {dimensions = array<i32: 0>} : vector<16xi32>
    %rev3A_643 = arith.subi %rev3A_641, %rev3A_642 : vector<16xi32>
    %rev3A_644 = tpu.dynamic_gather %masked_sort3A_87[%rev3A_643] in [0] : vector<16xf32>, vector<16xi32> -> vector<16xf32>
    %rev3A_645 = arith.constant 15 : i32
    %rev3A_646 = vector.broadcast %rev3A_645 : i32 to vector<16xi32>
    %rev3A_647 = tpu.iota {dimensions = array<i32: 0>} : vector<16xi32>
    %rev3A_648 = arith.subi %rev3A_646, %rev3A_647 : vector<16xi32>
    %rev3A_649 = tpu.dynamic_gather %masked_sort3A_88[%rev3A_648] in [0] : vector<16xi32>, vector<16xi32> -> vector<16xi32>
    %le3A_650 = arith.cmpf ole, %masked_sort3A_78, %rev3A_644 : vector<16xf32>
    %select_n3A_651 = arith.select %le3A_650, %masked_sort3A_78, %rev3A_644 : vector<16xi1>, vector<16xf32>
    %select_n3A_652 = arith.select %le3A_650, %masked_sort3A_79, %rev3A_649 : vector<16xi1>, vector<16xi32>
    %masked_sort3A_653 = arith.constant dense<true> : vector<16xi1>
    %masked_sort3A_654, %masked_sort3A_655, %masked_sort3A_656 = tpu.sort %select_n3A_651, %select_n3A_652 masked %masked_sort3A_653 : (vector<16xf32>, vector<16xi32>, vector<16xi1>) -> (vector<16xi1>, vector<16xf32>, vector<16xi32>)
    %rev3A_657 = arith.constant 15 : i32
    %rev3A_658 = vector.broadcast %rev3A_657 : i32 to vector<16xi32>
    %rev3A_659 = tpu.iota {dimensions = array<i32: 0>} : vector<16xi32>
    %rev3A_660 = arith.subi %rev3A_658, %rev3A_659 : vector<16xi32>
    %rev3A_661 = tpu.dynamic_gather %masked_sort3A_105[%rev3A_660] in [0] : vector<16xf32>, vector<16xi32> -> vector<16xf32>
    %rev3A_662 = arith.constant 15 : i32
    %rev3A_663 = vector.broadcast %rev3A_662 : i32 to vector<16xi32>
    %rev3A_664 = tpu.iota {dimensions = array<i32: 0>} : vector<16xi32>
    %rev3A_665 = arith.subi %rev3A_663, %rev3A_664 : vector<16xi32>
    %rev3A_666 = tpu.dynamic_gather %masked_sort3A_106[%rev3A_665] in [0] : vector<16xi32>, vector<16xi32> -> vector<16xi32>
    %le3A_667 = arith.cmpf ole, %masked_sort3A_96, %rev3A_661 : vector<16xf32>
    %select_n3A_668 = arith.select %le3A_667, %masked_sort3A_96, %rev3A_661 : vector<16xi1>, vector<16xf32>
    %select_n3A_669 = arith.select %le3A_667, %masked_sort3A_97, %rev3A_666 : vector<16xi1>, vector<16xi32>
    %masked_sort3A_670 = arith.constant dense<true> : vector<16xi1>
    %masked_sort3A_671, %masked_sort3A_672, %masked_sort3A_673 = tpu.sort %select_n3A_668, %select_n3A_669 masked %masked_sort3A_670 : (vector<16xf32>, vector<16xi32>, vector<16xi1>) -> (vector<16xi1>, vector<16xf32>, vector<16xi32>)
    %rev3A_674 = arith.constant 15 : i32
    %rev3A_675 = vector.broadcast %rev3A_674 : i32 to vector<16xi32>
    %rev3A_676 = tpu.iota {dimensions = array<i32: 0>} : vector<16xi32>
    %rev3A_677 = arith.subi %rev3A_675, %rev3A_676 : vector<16xi32>
    %rev3A_678 = tpu.dynamic_gather %masked_sort3A_123[%rev3A_677] in [0] : vector<16xf32>, vector<16xi32> -> vector<16xf32>
    %rev3A_679 = arith.constant 15 : i32
    %rev3A_680 = vector.broadcast %rev3A_679 : i32 to vector<16xi32>
    %rev3A_681 = tpu.iota {dimensions = array<i32: 0>} : vector<16xi32>
    %rev3A_682 = arith.subi %rev3A_680, %rev3A_681 : vector<16xi32>
    %rev3A_683 = tpu.dynamic_gather %masked_sort3A_124[%rev3A_682] in [0] : vector<16xi32>, vector<16xi32> -> vector<16xi32>
    %le3A_684 = arith.cmpf ole, %masked_sort3A_114, %rev3A_678 : vector<16xf32>
    %select_n3A_685 = arith.select %le3A_684, %masked_sort3A_114, %rev3A_678 : vector<16xi1>, vector<16xf32>
    %select_n3A_686 = arith.select %le3A_684, %masked_sort3A_115, %rev3A_683 : vector<16xi1>, vector<16xi32>
    %masked_sort3A_687 = arith.constant dense<true> : vector<16xi1>
    %masked_sort3A_688, %masked_sort3A_689, %masked_sort3A_690 = tpu.sort %select_n3A_685, %select_n3A_686 masked %masked_sort3A_687 : (vector<16xf32>, vector<16xi32>, vector<16xi1>) -> (vector<16xi1>, vector<16xf32>, vector<16xi32>)
    %rev3A_691 = arith.constant 15 : i32
    %rev3A_692 = vector.broadcast %rev3A_691 : i32 to vector<16xi32>
    %rev3A_693 = tpu.iota {dimensions = array<i32: 0>} : vector<16xi32>
    %rev3A_694 = arith.subi %rev3A_692, %rev3A_693 : vector<16xi32>
    %rev3A_695 = tpu.dynamic_gather %masked_sort3A_141[%rev3A_694] in [0] : vector<16xf32>, vector<16xi32> -> vector<16xf32>
    %rev3A_696 = arith.constant 15 : i32
    %rev3A_697 = vector.broadcast %rev3A_696 : i32 to vector<16xi32>
    %rev3A_698 = tpu.iota {dimensions = array<i32: 0>} : vector<16xi32>
    %rev3A_699 = arith.subi %rev3A_697, %rev3A_698 : vector<16xi32>
    %rev3A_700 = tpu.dynamic_gather %masked_sort3A_142[%rev3A_699] in [0] : vector<16xi32>, vector<16xi32> -> vector<16xi32>
    %le3A_701 = arith.cmpf ole, %masked_sort3A_132, %rev3A_695 : vector<16xf32>
    %select_n3A_702 = arith.select %le3A_701, %masked_sort3A_132, %rev3A_695 : vector<16xi1>, vector<16xf32>
    %select_n3A_703 = arith.select %le3A_701, %masked_sort3A_133, %rev3A_700 : vector<16xi1>, vector<16xi32>
    %masked_sort3A_704 = arith.constant dense<true> : vector<16xi1>
    %masked_sort3A_705, %masked_sort3A_706, %masked_sort3A_707 = tpu.sort %select_n3A_702, %select_n3A_703 masked %masked_sort3A_704 : (vector<16xf32>, vector<16xi32>, vector<16xi1>) -> (vector<16xi1>, vector<16xf32>, vector<16xi32>)
    %rev3A_708 = arith.constant 15 : i32
    %rev3A_709 = vector.broadcast %rev3A_708 : i32 to vector<16xi32>
    %rev3A_710 = tpu.iota {dimensions = array<i32: 0>} : vector<16xi32>
    %rev3A_711 = arith.subi %rev3A_709, %rev3A_710 : vector<16xi32>
    %rev3A_712 = tpu.dynamic_gather %masked_sort3A_159[%rev3A_711] in [0] : vector<16xf32>, vector<16xi32> -> vector<16xf32>
    %rev3A_713 = arith.constant 15 : i32
    %rev3A_714 = vector.broadcast %rev3A_713 : i32 to vector<16xi32>
    %rev3A_715 = tpu.iota {dimensions = array<i32: 0>} : vector<16xi32>
    %rev3A_716 = arith.subi %rev3A_714, %rev3A_715 : vector<16xi32>
    %rev3A_717 = tpu.dynamic_gather %masked_sort3A_160[%rev3A_716] in [0] : vector<16xi32>, vector<16xi32> -> vector<16xi32>
    %le3A_718 = arith.cmpf ole, %masked_sort3A_150, %rev3A_712 : vector<16xf32>
    %select_n3A_719 = arith.select %le3A_718, %masked_sort3A_150, %rev3A_712 : vector<16xi1>, vector<16xf32>
    %select_n3A_720 = arith.select %le3A_718, %masked_sort3A_151, %rev3A_717 : vector<16xi1>, vector<16xi32>
    %masked_sort3A_721 = arith.constant dense<true> : vector<16xi1>
    %masked_sort3A_722, %masked_sort3A_723, %masked_sort3A_724 = tpu.sort %select_n3A_719, %select_n3A_720 masked %masked_sort3A_721 : (vector<16xf32>, vector<16xi32>, vector<16xi1>) -> (vector<16xi1>, vector<16xf32>, vector<16xi32>)
    %rev3A_725 = arith.constant 15 : i32
    %rev3A_726 = vector.broadcast %rev3A_725 : i32 to vector<16xi32>
    %rev3A_727 = tpu.iota {dimensions = array<i32: 0>} : vector<16xi32>
    %rev3A_728 = arith.subi %rev3A_726, %rev3A_727 : vector<16xi32>
    %rev3A_729 = tpu.dynamic_gather %masked_sort3A_177[%rev3A_728] in [0] : vector<16xf32>, vector<16xi32> -> vector<16xf32>
    %rev3A_730 = arith.constant 15 : i32
    %rev3A_731 = vector.broadcast %rev3A_730 : i32 to vector<16xi32>
    %rev3A_732 = tpu.iota {dimensions = array<i32: 0>} : vector<16xi32>
    %rev3A_733 = arith.subi %rev3A_731, %rev3A_732 : vector<16xi32>
    %rev3A_734 = tpu.dynamic_gather %masked_sort3A_178[%rev3A_733] in [0] : vector<16xi32>, vector<16xi32> -> vector<16xi32>
    %le3A_735 = arith.cmpf ole, %masked_sort3A_168, %rev3A_729 : vector<16xf32>
    %select_n3A_736 = arith.select %le3A_735, %masked_sort3A_168, %rev3A_729 : vector<16xi1>, vector<16xf32>
    %select_n3A_737 = arith.select %le3A_735, %masked_sort3A_169, %rev3A_734 : vector<16xi1>, vector<16xi32>
    %masked_sort3A_738 = arith.constant dense<true> : vector<16xi1>
    %masked_sort3A_739, %masked_sort3A_740, %masked_sort3A_741 = tpu.sort %select_n3A_736, %select_n3A_737 masked %masked_sort3A_738 : (vector<16xf32>, vector<16xi32>, vector<16xi1>) -> (vector<16xi1>, vector<16xf32>, vector<16xi32>)
    %rev3A_742 = arith.constant 15 : i32
    %rev3A_743 = vector.broadcast %rev3A_742 : i32 to vector<16xi32>
    %rev3A_744 = tpu.iota {dimensions = array<i32: 0>} : vector<16xi32>
    %rev3A_745 = arith.subi %rev3A_743, %rev3A_744 : vector<16xi32>
    %rev3A_746 = tpu.dynamic_gather %masked_sort3A_195[%rev3A_745] in [0] : vector<16xf32>, vector<16xi32> -> vector<16xf32>
    %rev3A_747 = arith.constant 15 : i32
    %rev3A_748 = vector.broadcast %rev3A_747 : i32 to vector<16xi32>
    %rev3A_749 = tpu.iota {dimensions = array<i32: 0>} : vector<16xi32>
    %rev3A_750 = arith.subi %rev3A_748, %rev3A_749 : vector<16xi32>
    %rev3A_751 = tpu.dynamic_gather %masked_sort3A_196[%rev3A_750] in [0] : vector<16xi32>, vector<16xi32> -> vector<16xi32>
    %le3A_752 = arith.cmpf ole, %masked_sort3A_186, %rev3A_746 : vector<16xf32>
    %select_n3A_753 = arith.select %le3A_752, %masked_sort3A_186, %rev3A_746 : vector<16xi1>, vector<16xf32>
    %select_n3A_754 = arith.select %le3A_752, %masked_sort3A_187, %rev3A_751 : vector<16xi1>, vector<16xi32>
    %masked_sort3A_755 = arith.constant dense<true> : vector<16xi1>
    %masked_sort3A_756, %masked_sort3A_757, %masked_sort3A_758 = tpu.sort %select_n3A_753, %select_n3A_754 masked %masked_sort3A_755 : (vector<16xf32>, vector<16xi32>, vector<16xi1>) -> (vector<16xi1>, vector<16xf32>, vector<16xi32>)
    %rev3A_759 = arith.constant 15 : i32
    %rev3A_760 = vector.broadcast %rev3A_759 : i32 to vector<16xi32>
    %rev3A_761 = tpu.iota {dimensions = array<i32: 0>} : vector<16xi32>
    %rev3A_762 = arith.subi %rev3A_760, %rev3A_761 : vector<16xi32>
    %rev3A_763 = tpu.dynamic_gather %masked_sort3A_213[%rev3A_762] in [0] : vector<16xf32>, vector<16xi32> -> vector<16xf32>
    %rev3A_764 = arith.constant 15 : i32
    %rev3A_765 = vector.broadcast %rev3A_764 : i32 to vector<16xi32>
    %rev3A_766 = tpu.iota {dimensions = array<i32: 0>} : vector<16xi32>
    %rev3A_767 = arith.subi %rev3A_765, %rev3A_766 : vector<16xi32>
    %rev3A_768 = tpu.dynamic_gather %masked_sort3A_214[%rev3A_767] in [0] : vector<16xi32>, vector<16xi32> -> vector<16xi32>
    %le3A_769 = arith.cmpf ole, %masked_sort3A_204, %rev3A_763 : vector<16xf32>
    %select_n3A_770 = arith.select %le3A_769, %masked_sort3A_204, %rev3A_763 : vector<16xi1>, vector<16xf32>
    %select_n3A_771 = arith.select %le3A_769, %masked_sort3A_205, %rev3A_768 : vector<16xi1>, vector<16xi32>
    %masked_sort3A_772 = arith.constant dense<true> : vector<16xi1>
    %masked_sort3A_773, %masked_sort3A_774, %masked_sort3A_775 = tpu.sort %select_n3A_770, %select_n3A_771 masked %masked_sort3A_772 : (vector<16xf32>, vector<16xi32>, vector<16xi1>) -> (vector<16xi1>, vector<16xf32>, vector<16xi32>)
    %rev3A_776 = arith.constant 15 : i32
    %rev3A_777 = vector.broadcast %rev3A_776 : i32 to vector<16xi32>
    %rev3A_778 = tpu.iota {dimensions = array<i32: 0>} : vector<16xi32>
    %rev3A_779 = arith.subi %rev3A_777, %rev3A_778 : vector<16xi32>
    %rev3A_780 = tpu.dynamic_gather %masked_sort3A_231[%rev3A_779] in [0] : vector<16xf32>, vector<16xi32> -> vector<16xf32>
    %rev3A_781 = arith.constant 15 : i32
    %rev3A_782 = vector.broadcast %rev3A_781 : i32 to vector<16xi32>
    %rev3A_783 = tpu.iota {dimensions = array<i32: 0>} : vector<16xi32>
    %rev3A_784 = arith.subi %rev3A_782, %rev3A_783 : vector<16xi32>
    %rev3A_785 = tpu.dynamic_gather %masked_sort3A_232[%rev3A_784] in [0] : vector<16xi32>, vector<16xi32> -> vector<16xi32>
    %le3A_786 = arith.cmpf ole, %masked_sort3A_222, %rev3A_780 : vector<16xf32>
    %select_n3A_787 = arith.select %le3A_786, %masked_sort3A_222, %rev3A_780 : vector<16xi1>, vector<16xf32>
    %select_n3A_788 = arith.select %le3A_786, %masked_sort3A_223, %rev3A_785 : vector<16xi1>, vector<16xi32>
    %masked_sort3A_789 = arith.constant dense<true> : vector<16xi1>
    %masked_sort3A_790, %masked_sort3A_791, %masked_sort3A_792 = tpu.sort %select_n3A_787, %select_n3A_788 masked %masked_sort3A_789 : (vector<16xf32>, vector<16xi32>, vector<16xi1>) -> (vector<16xi1>, vector<16xf32>, vector<16xi32>)
    %rev3A_793 = arith.constant 15 : i32
    %rev3A_794 = vector.broadcast %rev3A_793 : i32 to vector<16xi32>
    %rev3A_795 = tpu.iota {dimensions = array<i32: 0>} : vector<16xi32>
    %rev3A_796 = arith.subi %rev3A_794, %rev3A_795 : vector<16xi32>
    %rev3A_797 = tpu.dynamic_gather %masked_sort3A_249[%rev3A_796] in [0] : vector<16xf32>, vector<16xi32> -> vector<16xf32>
    %rev3A_798 = arith.constant 15 : i32
    %rev3A_799 = vector.broadcast %rev3A_798 : i32 to vector<16xi32>
    %rev3A_800 = tpu.iota {dimensions = array<i32: 0>} : vector<16xi32>
    %rev3A_801 = arith.subi %rev3A_799, %rev3A_800 : vector<16xi32>
    %rev3A_802 = tpu.dynamic_gather %masked_sort3A_250[%rev3A_801] in [0] : vector<16xi32>, vector<16xi32> -> vector<16xi32>
    %le3A_803 = arith.cmpf ole, %masked_sort3A_240, %rev3A_797 : vector<16xf32>
    %select_n3A_804 = arith.select %le3A_803, %masked_sort3A_240, %rev3A_797 : vector<16xi1>, vector<16xf32>
    %select_n3A_805 = arith.select %le3A_803, %masked_sort3A_241, %rev3A_802 : vector<16xi1>, vector<16xi32>
    %masked_sort3A_806 = arith.constant dense<true> : vector<16xi1>
    %masked_sort3A_807, %masked_sort3A_808, %masked_sort3A_809 = tpu.sort %select_n3A_804, %select_n3A_805 masked %masked_sort3A_806 : (vector<16xf32>, vector<16xi32>, vector<16xi1>) -> (vector<16xi1>, vector<16xf32>, vector<16xi32>)
    %rev3A_810 = arith.constant 15 : i32
    %rev3A_811 = vector.broadcast %rev3A_810 : i32 to vector<16xi32>
    %rev3A_812 = tpu.iota {dimensions = array<i32: 0>} : vector<16xi32>
    %rev3A_813 = arith.subi %rev3A_811, %rev3A_812 : vector<16xi32>
    %rev3A_814 = tpu.dynamic_gather %masked_sort3A_267[%rev3A_813] in [0] : vector<16xf32>, vector<16xi32> -> vector<16xf32>
    %rev3A_815 = arith.constant 15 : i32
    %rev3A_816 = vector.broadcast %rev3A_815 : i32 to vector<16xi32>
    %rev3A_817 = tpu.iota {dimensions = array<i32: 0>} : vector<16xi32>
    %rev3A_818 = arith.subi %rev3A_816, %rev3A_817 : vector<16xi32>
    %rev3A_819 = tpu.dynamic_gather %masked_sort3A_268[%rev3A_818] in [0] : vector<16xi32>, vector<16xi32> -> vector<16xi32>
    %le3A_820 = arith.cmpf ole, %masked_sort3A_258, %rev3A_814 : vector<16xf32>
    %select_n3A_821 = arith.select %le3A_820, %masked_sort3A_258, %rev3A_814 : vector<16xi1>, vector<16xf32>
    %select_n3A_822 = arith.select %le3A_820, %masked_sort3A_259, %rev3A_819 : vector<16xi1>, vector<16xi32>
    %masked_sort3A_823 = arith.constant dense<true> : vector<16xi1>
    %masked_sort3A_824, %masked_sort3A_825, %masked_sort3A_826 = tpu.sort %select_n3A_821, %select_n3A_822 masked %masked_sort3A_823 : (vector<16xf32>, vector<16xi32>, vector<16xi1>) -> (vector<16xi1>, vector<16xf32>, vector<16xi32>)
    %rev3A_827 = arith.constant 15 : i32
    %rev3A_828 = vector.broadcast %rev3A_827 : i32 to vector<16xi32>
    %rev3A_829 = tpu.iota {dimensions = array<i32: 0>} : vector<16xi32>
    %rev3A_830 = arith.subi %rev3A_828, %rev3A_829 : vector<16xi32>
    %rev3A_831 = tpu.dynamic_gather %masked_sort3A_285[%rev3A_830] in [0] : vector<16xf32>, vector<16xi32> -> vector<16xf32>
    %rev3A_832 = arith.constant 15 : i32
    %rev3A_833 = vector.broadcast %rev3A_832 : i32 to vector<16xi32>
    %rev3A_834 = tpu.iota {dimensions = array<i32: 0>} : vector<16xi32>
    %rev3A_835 = arith.subi %rev3A_833, %rev3A_834 : vector<16xi32>
    %rev3A_836 = tpu.dynamic_gather %masked_sort3A_286[%rev3A_835] in [0] : vector<16xi32>, vector<16xi32> -> vector<16xi32>
    %le3A_837 = arith.cmpf ole, %masked_sort3A_276, %rev3A_831 : vector<16xf32>
    %select_n3A_838 = arith.select %le3A_837, %masked_sort3A_276, %rev3A_831 : vector<16xi1>, vector<16xf32>
    %select_n3A_839 = arith.select %le3A_837, %masked_sort3A_277, %rev3A_836 : vector<16xi1>, vector<16xi32>
    %masked_sort3A_840 = arith.constant dense<true> : vector<16xi1>
    %masked_sort3A_841, %masked_sort3A_842, %masked_sort3A_843 = tpu.sort %select_n3A_838, %select_n3A_839 masked %masked_sort3A_840 : (vector<16xf32>, vector<16xi32>, vector<16xi1>) -> (vector<16xi1>, vector<16xf32>, vector<16xi32>)
    %rev3A_844 = arith.constant 15 : i32
    %rev3A_845 = vector.broadcast %rev3A_844 : i32 to vector<16xi32>
    %rev3A_846 = tpu.iota {dimensions = array<i32: 0>} : vector<16xi32>
    %rev3A_847 = arith.subi %rev3A_845, %rev3A_846 : vector<16xi32>
    %rev3A_848 = tpu.dynamic_gather %masked_sort3A_303[%rev3A_847] in [0] : vector<16xf32>, vector<16xi32> -> vector<16xf32>
    %rev3A_849 = arith.constant 15 : i32
    %rev3A_850 = vector.broadcast %rev3A_849 : i32 to vector<16xi32>
    %rev3A_851 = tpu.iota {dimensions = array<i32: 0>} : vector<16xi32>
    %rev3A_852 = arith.subi %rev3A_850, %rev3A_851 : vector<16xi32>
    %rev3A_853 = tpu.dynamic_gather %masked_sort3A_304[%rev3A_852] in [0] : vector<16xi32>, vector<16xi32> -> vector<16xi32>
    %le3A_854 = arith.cmpf ole, %masked_sort3A_294, %rev3A_848 : vector<16xf32>
    %select_n3A_855 = arith.select %le3A_854, %masked_sort3A_294, %rev3A_848 : vector<16xi1>, vector<16xf32>
    %select_n3A_856 = arith.select %le3A_854, %masked_sort3A_295, %rev3A_853 : vector<16xi1>, vector<16xi32>
    %masked_sort3A_857 = arith.constant dense<true> : vector<16xi1>
    %masked_sort3A_858, %masked_sort3A_859, %masked_sort3A_860 = tpu.sort %select_n3A_855, %select_n3A_856 masked %masked_sort3A_857 : (vector<16xf32>, vector<16xi32>, vector<16xi1>) -> (vector<16xi1>, vector<16xf32>, vector<16xi32>)
    %rev3A_861 = arith.constant 15 : i32
    %rev3A_862 = vector.broadcast %rev3A_861 : i32 to vector<16xi32>
    %rev3A_863 = tpu.iota {dimensions = array<i32: 0>} : vector<16xi32>
    %rev3A_864 = arith.subi %rev3A_862, %rev3A_863 : vector<16xi32>
    %rev3A_865 = tpu.dynamic_gather %masked_sort3A_321[%rev3A_864] in [0] : vector<16xf32>, vector<16xi32> -> vector<16xf32>
    %rev3A_866 = arith.constant 15 : i32
    %rev3A_867 = vector.broadcast %rev3A_866 : i32 to vector<16xi32>
    %rev3A_868 = tpu.iota {dimensions = array<i32: 0>} : vector<16xi32>
    %rev3A_869 = arith.subi %rev3A_867, %rev3A_868 : vector<16xi32>
    %rev3A_870 = tpu.dynamic_gather %masked_sort3A_322[%rev3A_869] in [0] : vector<16xi32>, vector<16xi32> -> vector<16xi32>
    %le3A_871 = arith.cmpf ole, %masked_sort3A_312, %rev3A_865 : vector<16xf32>
    %select_n3A_872 = arith.select %le3A_871, %masked_sort3A_312, %rev3A_865 : vector<16xi1>, vector<16xf32>
    %select_n3A_873 = arith.select %le3A_871, %masked_sort3A_313, %rev3A_870 : vector<16xi1>, vector<16xi32>
    %masked_sort3A_874 = arith.constant dense<true> : vector<16xi1>
    %masked_sort3A_875, %masked_sort3A_876, %masked_sort3A_877 = tpu.sort %select_n3A_872, %select_n3A_873 masked %masked_sort3A_874 : (vector<16xf32>, vector<16xi32>, vector<16xi1>) -> (vector<16xi1>, vector<16xf32>, vector<16xi32>)
    %rev3A_878 = arith.constant 15 : i32
    %rev3A_879 = vector.broadcast %rev3A_878 : i32 to vector<16xi32>
    %rev3A_880 = tpu.iota {dimensions = array<i32: 0>} : vector<16xi32>
    %rev3A_881 = arith.subi %rev3A_879, %rev3A_880 : vector<16xi32>
    %rev3A_882 = tpu.dynamic_gather %masked_sort3A_339[%rev3A_881] in [0] : vector<16xf32>, vector<16xi32> -> vector<16xf32>
    %rev3A_883 = arith.constant 15 : i32
    %rev3A_884 = vector.broadcast %rev3A_883 : i32 to vector<16xi32>
    %rev3A_885 = tpu.iota {dimensions = array<i32: 0>} : vector<16xi32>
    %rev3A_886 = arith.subi %rev3A_884, %rev3A_885 : vector<16xi32>
    %rev3A_887 = tpu.dynamic_gather %masked_sort3A_340[%rev3A_886] in [0] : vector<16xi32>, vector<16xi32> -> vector<16xi32>
    %le3A_888 = arith.cmpf ole, %masked_sort3A_330, %rev3A_882 : vector<16xf32>
    %select_n3A_889 = arith.select %le3A_888, %masked_sort3A_330, %rev3A_882 : vector<16xi1>, vector<16xf32>
    %select_n3A_890 = arith.select %le3A_888, %masked_sort3A_331, %rev3A_887 : vector<16xi1>, vector<16xi32>
    %masked_sort3A_891 = arith.constant dense<true> : vector<16xi1>
    %masked_sort3A_892, %masked_sort3A_893, %masked_sort3A_894 = tpu.sort %select_n3A_889, %select_n3A_890 masked %masked_sort3A_891 : (vector<16xf32>, vector<16xi32>, vector<16xi1>) -> (vector<16xi1>, vector<16xf32>, vector<16xi32>)
    %rev3A_895 = arith.constant 15 : i32
    %rev3A_896 = vector.broadcast %rev3A_895 : i32 to vector<16xi32>
    %rev3A_897 = tpu.iota {dimensions = array<i32: 0>} : vector<16xi32>
    %rev3A_898 = arith.subi %rev3A_896, %rev3A_897 : vector<16xi32>
    %rev3A_899 = tpu.dynamic_gather %masked_sort3A_357[%rev3A_898] in [0] : vector<16xf32>, vector<16xi32> -> vector<16xf32>
    %rev3A_900 = arith.constant 15 : i32
    %rev3A_901 = vector.broadcast %rev3A_900 : i32 to vector<16xi32>
    %rev3A_902 = tpu.iota {dimensions = array<i32: 0>} : vector<16xi32>
    %rev3A_903 = arith.subi %rev3A_901, %rev3A_902 : vector<16xi32>
    %rev3A_904 = tpu.dynamic_gather %masked_sort3A_358[%rev3A_903] in [0] : vector<16xi32>, vector<16xi32> -> vector<16xi32>
    %le3A_905 = arith.cmpf ole, %masked_sort3A_348, %rev3A_899 : vector<16xf32>
    %select_n3A_906 = arith.select %le3A_905, %masked_sort3A_348, %rev3A_899 : vector<16xi1>, vector<16xf32>
    %select_n3A_907 = arith.select %le3A_905, %masked_sort3A_349, %rev3A_904 : vector<16xi1>, vector<16xi32>
    %masked_sort3A_908 = arith.constant dense<true> : vector<16xi1>
    %masked_sort3A_909, %masked_sort3A_910, %masked_sort3A_911 = tpu.sort %select_n3A_906, %select_n3A_907 masked %masked_sort3A_908 : (vector<16xf32>, vector<16xi32>, vector<16xi1>) -> (vector<16xi1>, vector<16xf32>, vector<16xi32>)
    %rev3A_912 = arith.constant 15 : i32
    %rev3A_913 = vector.broadcast %rev3A_912 : i32 to vector<16xi32>
    %rev3A_914 = tpu.iota {dimensions = array<i32: 0>} : vector<16xi32>
    %rev3A_915 = arith.subi %rev3A_913, %rev3A_914 : vector<16xi32>
    %rev3A_916 = tpu.dynamic_gather %masked_sort3A_375[%rev3A_915] in [0] : vector<16xf32>, vector<16xi32> -> vector<16xf32>
    %rev3A_917 = arith.constant 15 : i32
    %rev3A_918 = vector.broadcast %rev3A_917 : i32 to vector<16xi32>
    %rev3A_919 = tpu.iota {dimensions = array<i32: 0>} : vector<16xi32>
    %rev3A_920 = arith.subi %rev3A_918, %rev3A_919 : vector<16xi32>
    %rev3A_921 = tpu.dynamic_gather %masked_sort3A_376[%rev3A_920] in [0] : vector<16xi32>, vector<16xi32> -> vector<16xi32>
    %le3A_922 = arith.cmpf ole, %masked_sort3A_366, %rev3A_916 : vector<16xf32>
    %select_n3A_923 = arith.select %le3A_922, %masked_sort3A_366, %rev3A_916 : vector<16xi1>, vector<16xf32>
    %select_n3A_924 = arith.select %le3A_922, %masked_sort3A_367, %rev3A_921 : vector<16xi1>, vector<16xi32>
    %masked_sort3A_925 = arith.constant dense<true> : vector<16xi1>
    %masked_sort3A_926, %masked_sort3A_927, %masked_sort3A_928 = tpu.sort %select_n3A_923, %select_n3A_924 masked %masked_sort3A_925 : (vector<16xf32>, vector<16xi32>, vector<16xi1>) -> (vector<16xi1>, vector<16xf32>, vector<16xi32>)
    %rev3A_929 = arith.constant 15 : i32
    %rev3A_930 = vector.broadcast %rev3A_929 : i32 to vector<16xi32>
    %rev3A_931 = tpu.iota {dimensions = array<i32: 0>} : vector<16xi32>
    %rev3A_932 = arith.subi %rev3A_930, %rev3A_931 : vector<16xi32>
    %rev3A_933 = tpu.dynamic_gather %masked_sort3A_393[%rev3A_932] in [0] : vector<16xf32>, vector<16xi32> -> vector<16xf32>
    %rev3A_934 = arith.constant 15 : i32
    %rev3A_935 = vector.broadcast %rev3A_934 : i32 to vector<16xi32>
    %rev3A_936 = tpu.iota {dimensions = array<i32: 0>} : vector<16xi32>
    %rev3A_937 = arith.subi %rev3A_935, %rev3A_936 : vector<16xi32>
    %rev3A_938 = tpu.dynamic_gather %masked_sort3A_394[%rev3A_937] in [0] : vector<16xi32>, vector<16xi32> -> vector<16xi32>
    %le3A_939 = arith.cmpf ole, %masked_sort3A_384, %rev3A_933 : vector<16xf32>
    %select_n3A_940 = arith.select %le3A_939, %masked_sort3A_384, %rev3A_933 : vector<16xi1>, vector<16xf32>
    %select_n3A_941 = arith.select %le3A_939, %masked_sort3A_385, %rev3A_938 : vector<16xi1>, vector<16xi32>
    %masked_sort3A_942 = arith.constant dense<true> : vector<16xi1>
    %masked_sort3A_943, %masked_sort3A_944, %masked_sort3A_945 = tpu.sort %select_n3A_940, %select_n3A_941 masked %masked_sort3A_942 : (vector<16xf32>, vector<16xi32>, vector<16xi1>) -> (vector<16xi1>, vector<16xf32>, vector<16xi32>)
    %rev3A_946 = arith.constant 15 : i32
    %rev3A_947 = vector.broadcast %rev3A_946 : i32 to vector<16xi32>
    %rev3A_948 = tpu.iota {dimensions = array<i32: 0>} : vector<16xi32>
    %rev3A_949 = arith.subi %rev3A_947, %rev3A_948 : vector<16xi32>
    %rev3A_950 = tpu.dynamic_gather %masked_sort3A_411[%rev3A_949] in [0] : vector<16xf32>, vector<16xi32> -> vector<16xf32>
    %rev3A_951 = arith.constant 15 : i32
    %rev3A_952 = vector.broadcast %rev3A_951 : i32 to vector<16xi32>
    %rev3A_953 = tpu.iota {dimensions = array<i32: 0>} : vector<16xi32>
    %rev3A_954 = arith.subi %rev3A_952, %rev3A_953 : vector<16xi32>
    %rev3A_955 = tpu.dynamic_gather %masked_sort3A_412[%rev3A_954] in [0] : vector<16xi32>, vector<16xi32> -> vector<16xi32>
    %le3A_956 = arith.cmpf ole, %masked_sort3A_402, %rev3A_950 : vector<16xf32>
    %select_n3A_957 = arith.select %le3A_956, %masked_sort3A_402, %rev3A_950 : vector<16xi1>, vector<16xf32>
    %select_n3A_958 = arith.select %le3A_956, %masked_sort3A_403, %rev3A_955 : vector<16xi1>, vector<16xi32>
    %masked_sort3A_959 = arith.constant dense<true> : vector<16xi1>
    %masked_sort3A_960, %masked_sort3A_961, %masked_sort3A_962 = tpu.sort %select_n3A_957, %select_n3A_958 masked %masked_sort3A_959 : (vector<16xf32>, vector<16xi32>, vector<16xi1>) -> (vector<16xi1>, vector<16xf32>, vector<16xi32>)
    %rev3A_963 = arith.constant 15 : i32
    %rev3A_964 = vector.broadcast %rev3A_963 : i32 to vector<16xi32>
    %rev3A_965 = tpu.iota {dimensions = array<i32: 0>} : vector<16xi32>
    %rev3A_966 = arith.subi %rev3A_964, %rev3A_965 : vector<16xi32>
    %rev3A_967 = tpu.dynamic_gather %masked_sort3A_429[%rev3A_966] in [0] : vector<16xf32>, vector<16xi32> -> vector<16xf32>
    %rev3A_968 = arith.constant 15 : i32
    %rev3A_969 = vector.broadcast %rev3A_968 : i32 to vector<16xi32>
    %rev3A_970 = tpu.iota {dimensions = array<i32: 0>} : vector<16xi32>
    %rev3A_971 = arith.subi %rev3A_969, %rev3A_970 : vector<16xi32>
    %rev3A_972 = tpu.dynamic_gather %masked_sort3A_430[%rev3A_971] in [0] : vector<16xi32>, vector<16xi32> -> vector<16xi32>
    %le3A_973 = arith.cmpf ole, %masked_sort3A_420, %rev3A_967 : vector<16xf32>
    %select_n3A_974 = arith.select %le3A_973, %masked_sort3A_420, %rev3A_967 : vector<16xi1>, vector<16xf32>
    %select_n3A_975 = arith.select %le3A_973, %masked_sort3A_421, %rev3A_972 : vector<16xi1>, vector<16xi32>
    %masked_sort3A_976 = arith.constant dense<true> : vector<16xi1>
    %masked_sort3A_977, %masked_sort3A_978, %masked_sort3A_979 = tpu.sort %select_n3A_974, %select_n3A_975 masked %masked_sort3A_976 : (vector<16xf32>, vector<16xi32>, vector<16xi1>) -> (vector<16xi1>, vector<16xf32>, vector<16xi32>)
    %rev3A_980 = arith.constant 15 : i32
    %rev3A_981 = vector.broadcast %rev3A_980 : i32 to vector<16xi32>
    %rev3A_982 = tpu.iota {dimensions = array<i32: 0>} : vector<16xi32>
    %rev3A_983 = arith.subi %rev3A_981, %rev3A_982 : vector<16xi32>
    %rev3A_984 = tpu.dynamic_gather %masked_sort3A_447[%rev3A_983] in [0] : vector<16xf32>, vector<16xi32> -> vector<16xf32>
    %rev3A_985 = arith.constant 15 : i32
    %rev3A_986 = vector.broadcast %rev3A_985 : i32 to vector<16xi32>
    %rev3A_987 = tpu.iota {dimensions = array<i32: 0>} : vector<16xi32>
    %rev3A_988 = arith.subi %rev3A_986, %rev3A_987 : vector<16xi32>
    %rev3A_989 = tpu.dynamic_gather %masked_sort3A_448[%rev3A_988] in [0] : vector<16xi32>, vector<16xi32> -> vector<16xi32>
    %le3A_990 = arith.cmpf ole, %masked_sort3A_438, %rev3A_984 : vector<16xf32>
    %select_n3A_991 = arith.select %le3A_990, %masked_sort3A_438, %rev3A_984 : vector<16xi1>, vector<16xf32>
    %select_n3A_992 = arith.select %le3A_990, %masked_sort3A_439, %rev3A_989 : vector<16xi1>, vector<16xi32>
    %masked_sort3A_993 = arith.constant dense<true> : vector<16xi1>
    %masked_sort3A_994, %masked_sort3A_995, %masked_sort3A_996 = tpu.sort %select_n3A_991, %select_n3A_992 masked %masked_sort3A_993 : (vector<16xf32>, vector<16xi32>, vector<16xi1>) -> (vector<16xi1>, vector<16xf32>, vector<16xi32>)
    %rev3A_997 = arith.constant 15 : i32
    %rev3A_998 = vector.broadcast %rev3A_997 : i32 to vector<16xi32>
    %rev3A_999 = tpu.iota {dimensions = array<i32: 0>} : vector<16xi32>
    %rev3A_1000 = arith.subi %rev3A_998, %rev3A_999 : vector<16xi32>
    %rev3A_1001 = tpu.dynamic_gather %masked_sort3A_465[%rev3A_1000] in [0] : vector<16xf32>, vector<16xi32> -> vector<16xf32>
    %rev3A_1002 = arith.constant 15 : i32
    %rev3A_1003 = vector.broadcast %rev3A_1002 : i32 to vector<16xi32>
    %rev3A_1004 = tpu.iota {dimensions = array<i32: 0>} : vector<16xi32>
    %rev3A_1005 = arith.subi %rev3A_1003, %rev3A_1004 : vector<16xi32>
    %rev3A_1006 = tpu.dynamic_gather %masked_sort3A_466[%rev3A_1005] in [0] : vector<16xi32>, vector<16xi32> -> vector<16xi32>
    %le3A_1007 = arith.cmpf ole, %masked_sort3A_456, %rev3A_1001 : vector<16xf32>
    %select_n3A_1008 = arith.select %le3A_1007, %masked_sort3A_456, %rev3A_1001 : vector<16xi1>, vector<16xf32>
    %select_n3A_1009 = arith.select %le3A_1007, %masked_sort3A_457, %rev3A_1006 : vector<16xi1>, vector<16xi32>
    %masked_sort3A_1010 = arith.constant dense<true> : vector<16xi1>
    %masked_sort3A_1011, %masked_sort3A_1012, %masked_sort3A_1013 = tpu.sort %select_n3A_1008, %select_n3A_1009 masked %masked_sort3A_1010 : (vector<16xf32>, vector<16xi32>, vector<16xi1>) -> (vector<16xi1>, vector<16xf32>, vector<16xi32>)
    %rev3A_1014 = arith.constant 15 : i32
    %rev3A_1015 = vector.broadcast %rev3A_1014 : i32 to vector<16xi32>
    %rev3A_1016 = tpu.iota {dimensions = array<i32: 0>} : vector<16xi32>
    %rev3A_1017 = arith.subi %rev3A_1015, %rev3A_1016 : vector<16xi32>
    %rev3A_1018 = tpu.dynamic_gather %masked_sort3A_483[%rev3A_1017] in [0] : vector<16xf32>, vector<16xi32> -> vector<16xf32>
    %rev3A_1019 = arith.constant 15 : i32
    %rev3A_1020 = vector.broadcast %rev3A_1019 : i32 to vector<16xi32>
    %rev3A_1021 = tpu.iota {dimensions = array<i32: 0>} : vector<16xi32>
    %rev3A_1022 = arith.subi %rev3A_1020, %rev3A_1021 : vector<16xi32>
    %rev3A_1023 = tpu.dynamic_gather %masked_sort3A_484[%rev3A_1022] in [0] : vector<16xi32>, vector<16xi32> -> vector<16xi32>
    %le3A_1024 = arith.cmpf ole, %masked_sort3A_474, %rev3A_1018 : vector<16xf32>
    %select_n3A_1025 = arith.select %le3A_1024, %masked_sort3A_474, %rev3A_1018 : vector<16xi1>, vector<16xf32>
    %select_n3A_1026 = arith.select %le3A_1024, %masked_sort3A_475, %rev3A_1023 : vector<16xi1>, vector<16xi32>
    %masked_sort3A_1027 = arith.constant dense<true> : vector<16xi1>
    %masked_sort3A_1028, %masked_sort3A_1029, %masked_sort3A_1030 = tpu.sort %select_n3A_1025, %select_n3A_1026 masked %masked_sort3A_1027 : (vector<16xf32>, vector<16xi32>, vector<16xi1>) -> (vector<16xi1>, vector<16xf32>, vector<16xi32>)
    %rev3A_1031 = arith.constant 15 : i32
    %rev3A_1032 = vector.broadcast %rev3A_1031 : i32 to vector<16xi32>
    %rev3A_1033 = tpu.iota {dimensions = array<i32: 0>} : vector<16xi32>
    %rev3A_1034 = arith.subi %rev3A_1032, %rev3A_1033 : vector<16xi32>
    %rev3A_1035 = tpu.dynamic_gather %masked_sort3A_501[%rev3A_1034] in [0] : vector<16xf32>, vector<16xi32> -> vector<16xf32>
    %rev3A_1036 = arith.constant 15 : i32
    %rev3A_1037 = vector.broadcast %rev3A_1036 : i32 to vector<16xi32>
    %rev3A_1038 = tpu.iota {dimensions = array<i32: 0>} : vector<16xi32>
    %rev3A_1039 = arith.subi %rev3A_1037, %rev3A_1038 : vector<16xi32>
    %rev3A_1040 = tpu.dynamic_gather %masked_sort3A_502[%rev3A_1039] in [0] : vector<16xi32>, vector<16xi32> -> vector<16xi32>
    %le3A_1041 = arith.cmpf ole, %masked_sort3A_492, %rev3A_1035 : vector<16xf32>
    %select_n3A_1042 = arith.select %le3A_1041, %masked_sort3A_492, %rev3A_1035 : vector<16xi1>, vector<16xf32>
    %select_n3A_1043 = arith.select %le3A_1041, %masked_sort3A_493, %rev3A_1040 : vector<16xi1>, vector<16xi32>
    %masked_sort3A_1044 = arith.constant dense<true> : vector<16xi1>
    %masked_sort3A_1045, %masked_sort3A_1046, %masked_sort3A_1047 = tpu.sort %select_n3A_1042, %select_n3A_1043 masked %masked_sort3A_1044 : (vector<16xf32>, vector<16xi32>, vector<16xi1>) -> (vector<16xi1>, vector<16xf32>, vector<16xi32>)
    %rev3A_1048 = arith.constant 15 : i32
    %rev3A_1049 = vector.broadcast %rev3A_1048 : i32 to vector<16xi32>
    %rev3A_1050 = tpu.iota {dimensions = array<i32: 0>} : vector<16xi32>
    %rev3A_1051 = arith.subi %rev3A_1049, %rev3A_1050 : vector<16xi32>
    %rev3A_1052 = tpu.dynamic_gather %masked_sort3A_519[%rev3A_1051] in [0] : vector<16xf32>, vector<16xi32> -> vector<16xf32>
    %rev3A_1053 = arith.constant 15 : i32
    %rev3A_1054 = vector.broadcast %rev3A_1053 : i32 to vector<16xi32>
    %rev3A_1055 = tpu.iota {dimensions = array<i32: 0>} : vector<16xi32>
    %rev3A_1056 = arith.subi %rev3A_1054, %rev3A_1055 : vector<16xi32>
    %rev3A_1057 = tpu.dynamic_gather %masked_sort3A_520[%rev3A_1056] in [0] : vector<16xi32>, vector<16xi32> -> vector<16xi32>
    %le3A_1058 = arith.cmpf ole, %masked_sort3A_510, %rev3A_1052 : vector<16xf32>
    %select_n3A_1059 = arith.select %le3A_1058, %masked_sort3A_510, %rev3A_1052 : vector<16xi1>, vector<16xf32>
    %select_n3A_1060 = arith.select %le3A_1058, %masked_sort3A_511, %rev3A_1057 : vector<16xi1>, vector<16xi32>
    %masked_sort3A_1061 = arith.constant dense<true> : vector<16xi1>
    %masked_sort3A_1062, %masked_sort3A_1063, %masked_sort3A_1064 = tpu.sort %select_n3A_1059, %select_n3A_1060 masked %masked_sort3A_1061 : (vector<16xf32>, vector<16xi32>, vector<16xi1>) -> (vector<16xi1>, vector<16xf32>, vector<16xi32>)
    %rev3A_1065 = arith.constant 15 : i32
    %rev3A_1066 = vector.broadcast %rev3A_1065 : i32 to vector<16xi32>
    %rev3A_1067 = tpu.iota {dimensions = array<i32: 0>} : vector<16xi32>
    %rev3A_1068 = arith.subi %rev3A_1066, %rev3A_1067 : vector<16xi32>
    %rev3A_1069 = tpu.dynamic_gather %masked_sort3A_537[%rev3A_1068] in [0] : vector<16xf32>, vector<16xi32> -> vector<16xf32>
    %rev3A_1070 = arith.constant 15 : i32
    %rev3A_1071 = vector.broadcast %rev3A_1070 : i32 to vector<16xi32>
    %rev3A_1072 = tpu.iota {dimensions = array<i32: 0>} : vector<16xi32>
    %rev3A_1073 = arith.subi %rev3A_1071, %rev3A_1072 : vector<16xi32>
    %rev3A_1074 = tpu.dynamic_gather %masked_sort3A_538[%rev3A_1073] in [0] : vector<16xi32>, vector<16xi32> -> vector<16xi32>
    %le3A_1075 = arith.cmpf ole, %masked_sort3A_528, %rev3A_1069 : vector<16xf32>
    %select_n3A_1076 = arith.select %le3A_1075, %masked_sort3A_528, %rev3A_1069 : vector<16xi1>, vector<16xf32>
    %select_n3A_1077 = arith.select %le3A_1075, %masked_sort3A_529, %rev3A_1074 : vector<16xi1>, vector<16xi32>
    %masked_sort3A_1078 = arith.constant dense<true> : vector<16xi1>
    %masked_sort3A_1079, %masked_sort3A_1080, %masked_sort3A_1081 = tpu.sort %select_n3A_1076, %select_n3A_1077 masked %masked_sort3A_1078 : (vector<16xf32>, vector<16xi32>, vector<16xi1>) -> (vector<16xi1>, vector<16xf32>, vector<16xi32>)
    %rev3A_1082 = arith.constant 15 : i32
    %rev3A_1083 = vector.broadcast %rev3A_1082 : i32 to vector<16xi32>
    %rev3A_1084 = tpu.iota {dimensions = array<i32: 0>} : vector<16xi32>
    %rev3A_1085 = arith.subi %rev3A_1083, %rev3A_1084 : vector<16xi32>
    %rev3A_1086 = tpu.dynamic_gather %masked_sort3A_555[%rev3A_1085] in [0] : vector<16xf32>, vector<16xi32> -> vector<16xf32>
    %rev3A_1087 = arith.constant 15 : i32
    %rev3A_1088 = vector.broadcast %rev3A_1087 : i32 to vector<16xi32>
    %rev3A_1089 = tpu.iota {dimensions = array<i32: 0>} : vector<16xi32>
    %rev3A_1090 = arith.subi %rev3A_1088, %rev3A_1089 : vector<16xi32>
    %rev3A_1091 = tpu.dynamic_gather %masked_sort3A_556[%rev3A_1090] in [0] : vector<16xi32>, vector<16xi32> -> vector<16xi32>
    %le3A_1092 = arith.cmpf ole, %masked_sort3A_546, %rev3A_1086 : vector<16xf32>
    %select_n3A_1093 = arith.select %le3A_1092, %masked_sort3A_546, %rev3A_1086 : vector<16xi1>, vector<16xf32>
    %select_n3A_1094 = arith.select %le3A_1092, %masked_sort3A_547, %rev3A_1091 : vector<16xi1>, vector<16xi32>
    %masked_sort3A_1095 = arith.constant dense<true> : vector<16xi1>
    %masked_sort3A_1096, %masked_sort3A_1097, %masked_sort3A_1098 = tpu.sort %select_n3A_1093, %select_n3A_1094 masked %masked_sort3A_1095 : (vector<16xf32>, vector<16xi32>, vector<16xi1>) -> (vector<16xi1>, vector<16xf32>, vector<16xi32>)
    %rev3A_1099 = arith.constant 15 : i32
    %rev3A_1100 = vector.broadcast %rev3A_1099 : i32 to vector<16xi32>
    %rev3A_1101 = tpu.iota {dimensions = array<i32: 0>} : vector<16xi32>
    %rev3A_1102 = arith.subi %rev3A_1100, %rev3A_1101 : vector<16xi32>
    %rev3A_1103 = tpu.dynamic_gather %masked_sort3A_573[%rev3A_1102] in [0] : vector<16xf32>, vector<16xi32> -> vector<16xf32>
    %rev3A_1104 = arith.constant 15 : i32
    %rev3A_1105 = vector.broadcast %rev3A_1104 : i32 to vector<16xi32>
    %rev3A_1106 = tpu.iota {dimensions = array<i32: 0>} : vector<16xi32>
    %rev3A_1107 = arith.subi %rev3A_1105, %rev3A_1106 : vector<16xi32>
    %rev3A_1108 = tpu.dynamic_gather %masked_sort3A_574[%rev3A_1107] in [0] : vector<16xi32>, vector<16xi32> -> vector<16xi32>
    %le3A_1109 = arith.cmpf ole, %masked_sort3A_564, %rev3A_1103 : vector<16xf32>
    %select_n3A_1110 = arith.select %le3A_1109, %masked_sort3A_564, %rev3A_1103 : vector<16xi1>, vector<16xf32>
    %select_n3A_1111 = arith.select %le3A_1109, %masked_sort3A_565, %rev3A_1108 : vector<16xi1>, vector<16xi32>
    %masked_sort3A_1112 = arith.constant dense<true> : vector<16xi1>
    %masked_sort3A_1113, %masked_sort3A_1114, %masked_sort3A_1115 = tpu.sort %select_n3A_1110, %select_n3A_1111 masked %masked_sort3A_1112 : (vector<16xf32>, vector<16xi32>, vector<16xi1>) -> (vector<16xi1>, vector<16xf32>, vector<16xi32>)
    %rev3A_1116 = arith.constant 15 : i32
    %rev3A_1117 = vector.broadcast %rev3A_1116 : i32 to vector<16xi32>
    %rev3A_1118 = tpu.iota {dimensions = array<i32: 0>} : vector<16xi32>
    %rev3A_1119 = arith.subi %rev3A_1117, %rev3A_1118 : vector<16xi32>
    %rev3A_1120 = tpu.dynamic_gather %masked_sort3A_604[%rev3A_1119] in [0] : vector<16xf32>, vector<16xi32> -> vector<16xf32>
    %rev3A_1121 = arith.constant 15 : i32
    %rev3A_1122 = vector.broadcast %rev3A_1121 : i32 to vector<16xi32>
    %rev3A_1123 = tpu.iota {dimensions = array<i32: 0>} : vector<16xi32>
    %rev3A_1124 = arith.subi %rev3A_1122, %rev3A_1123 : vector<16xi32>
    %rev3A_1125 = tpu.dynamic_gather %masked_sort3A_605[%rev3A_1124] in [0] : vector<16xi32>, vector<16xi32> -> vector<16xi32>
    %le3A_1126 = arith.cmpf ole, %masked_sort3A_587, %rev3A_1120 : vector<16xf32>
    %select_n3A_1127 = arith.select %le3A_1126, %masked_sort3A_587, %rev3A_1120 : vector<16xi1>, vector<16xf32>
    %select_n3A_1128 = arith.select %le3A_1126, %masked_sort3A_588, %rev3A_1125 : vector<16xi1>, vector<16xi32>
    %masked_sort3A_1129 = arith.constant dense<true> : vector<16xi1>
    %masked_sort3A_1130, %masked_sort3A_1131, %masked_sort3A_1132 = tpu.sort %select_n3A_1127, %select_n3A_1128 masked %masked_sort3A_1129 : (vector<16xf32>, vector<16xi32>, vector<16xi1>) -> (vector<16xi1>, vector<16xf32>, vector<16xi32>)
    %rev3A_1133 = arith.constant 15 : i32
    %rev3A_1134 = vector.broadcast %rev3A_1133 : i32 to vector<16xi32>
    %rev3A_1135 = tpu.iota {dimensions = array<i32: 0>} : vector<16xi32>
    %rev3A_1136 = arith.subi %rev3A_1134, %rev3A_1135 : vector<16xi32>
    %rev3A_1137 = tpu.dynamic_gather %masked_sort3A_638[%rev3A_1136] in [0] : vector<16xf32>, vector<16xi32> -> vector<16xf32>
    %rev3A_1138 = arith.constant 15 : i32
    %rev3A_1139 = vector.broadcast %rev3A_1138 : i32 to vector<16xi32>
    %rev3A_1140 = tpu.iota {dimensions = array<i32: 0>} : vector<16xi32>
    %rev3A_1141 = arith.subi %rev3A_1139, %rev3A_1140 : vector<16xi32>
    %rev3A_1142 = tpu.dynamic_gather %masked_sort3A_639[%rev3A_1141] in [0] : vector<16xi32>, vector<16xi32> -> vector<16xi32>
    %le3A_1143 = arith.cmpf ole, %masked_sort3A_621, %rev3A_1137 : vector<16xf32>
    %select_n3A_1144 = arith.select %le3A_1143, %masked_sort3A_621, %rev3A_1137 : vector<16xi1>, vector<16xf32>
    %select_n3A_1145 = arith.select %le3A_1143, %masked_sort3A_622, %rev3A_1142 : vector<16xi1>, vector<16xi32>
    %masked_sort3A_1146 = arith.constant dense<true> : vector<16xi1>
    %masked_sort3A_1147, %masked_sort3A_1148, %masked_sort3A_1149 = tpu.sort %select_n3A_1144, %select_n3A_1145 masked %masked_sort3A_1146 : (vector<16xf32>, vector<16xi32>, vector<16xi1>) -> (vector<16xi1>, vector<16xf32>, vector<16xi32>)
    %rev3A_1150 = arith.constant 15 : i32
    %rev3A_1151 = vector.broadcast %rev3A_1150 : i32 to vector<16xi32>
    %rev3A_1152 = tpu.iota {dimensions = array<i32: 0>} : vector<16xi32>
    %rev3A_1153 = arith.subi %rev3A_1151, %rev3A_1152 : vector<16xi32>
    %rev3A_1154 = tpu.dynamic_gather %masked_sort3A_672[%rev3A_1153] in [0] : vector<16xf32>, vector<16xi32> -> vector<16xf32>
    %rev3A_1155 = arith.constant 15 : i32
    %rev3A_1156 = vector.broadcast %rev3A_1155 : i32 to vector<16xi32>
    %rev3A_1157 = tpu.iota {dimensions = array<i32: 0>} : vector<16xi32>
    %rev3A_1158 = arith.subi %rev3A_1156, %rev3A_1157 : vector<16xi32>
    %rev3A_1159 = tpu.dynamic_gather %masked_sort3A_673[%rev3A_1158] in [0] : vector<16xi32>, vector<16xi32> -> vector<16xi32>
    %le3A_1160 = arith.cmpf ole, %masked_sort3A_655, %rev3A_1154 : vector<16xf32>
    %select_n3A_1161 = arith.select %le3A_1160, %masked_sort3A_655, %rev3A_1154 : vector<16xi1>, vector<16xf32>
    %select_n3A_1162 = arith.select %le3A_1160, %masked_sort3A_656, %rev3A_1159 : vector<16xi1>, vector<16xi32>
    %masked_sort3A_1163 = arith.constant dense<true> : vector<16xi1>
    %masked_sort3A_1164, %masked_sort3A_1165, %masked_sort3A_1166 = tpu.sort %select_n3A_1161, %select_n3A_1162 masked %masked_sort3A_1163 : (vector<16xf32>, vector<16xi32>, vector<16xi1>) -> (vector<16xi1>, vector<16xf32>, vector<16xi32>)
    %rev3A_1167 = arith.constant 15 : i32
    %rev3A_1168 = vector.broadcast %rev3A_1167 : i32 to vector<16xi32>
    %rev3A_1169 = tpu.iota {dimensions = array<i32: 0>} : vector<16xi32>
    %rev3A_1170 = arith.subi %rev3A_1168, %rev3A_1169 : vector<16xi32>
    %rev3A_1171 = tpu.dynamic_gather %masked_sort3A_706[%rev3A_1170] in [0] : vector<16xf32>, vector<16xi32> -> vector<16xf32>
    %rev3A_1172 = arith.constant 15 : i32
    %rev3A_1173 = vector.broadcast %rev3A_1172 : i32 to vector<16xi32>
    %rev3A_1174 = tpu.iota {dimensions = array<i32: 0>} : vector<16xi32>
    %rev3A_1175 = arith.subi %rev3A_1173, %rev3A_1174 : vector<16xi32>
    %rev3A_1176 = tpu.dynamic_gather %masked_sort3A_707[%rev3A_1175] in [0] : vector<16xi32>, vector<16xi32> -> vector<16xi32>
    %le3A_1177 = arith.cmpf ole, %masked_sort3A_689, %rev3A_1171 : vector<16xf32>
    %select_n3A_1178 = arith.select %le3A_1177, %masked_sort3A_689, %rev3A_1171 : vector<16xi1>, vector<16xf32>
    %select_n3A_1179 = arith.select %le3A_1177, %masked_sort3A_690, %rev3A_1176 : vector<16xi1>, vector<16xi32>
    %masked_sort3A_1180 = arith.constant dense<true> : vector<16xi1>
    %masked_sort3A_1181, %masked_sort3A_1182, %masked_sort3A_1183 = tpu.sort %select_n3A_1178, %select_n3A_1179 masked %masked_sort3A_1180 : (vector<16xf32>, vector<16xi32>, vector<16xi1>) -> (vector<16xi1>, vector<16xf32>, vector<16xi32>)
    %rev3A_1184 = arith.constant 15 : i32
    %rev3A_1185 = vector.broadcast %rev3A_1184 : i32 to vector<16xi32>
    %rev3A_1186 = tpu.iota {dimensions = array<i32: 0>} : vector<16xi32>
    %rev3A_1187 = arith.subi %rev3A_1185, %rev3A_1186 : vector<16xi32>
    %rev3A_1188 = tpu.dynamic_gather %masked_sort3A_740[%rev3A_1187] in [0] : vector<16xf32>, vector<16xi32> -> vector<16xf32>
    %rev3A_1189 = arith.constant 15 : i32
    %rev3A_1190 = vector.broadcast %rev3A_1189 : i32 to vector<16xi32>
    %rev3A_1191 = tpu.iota {dimensions = array<i32: 0>} : vector<16xi32>
    %rev3A_1192 = arith.subi %rev3A_1190, %rev3A_1191 : vector<16xi32>
    %rev3A_1193 = tpu.dynamic_gather %masked_sort3A_741[%rev3A_1192] in [0] : vector<16xi32>, vector<16xi32> -> vector<16xi32>
    %le3A_1194 = arith.cmpf ole, %masked_sort3A_723, %rev3A_1188 : vector<16xf32>
    %select_n3A_1195 = arith.select %le3A_1194, %masked_sort3A_723, %rev3A_1188 : vector<16xi1>, vector<16xf32>
    %select_n3A_1196 = arith.select %le3A_1194, %masked_sort3A_724, %rev3A_1193 : vector<16xi1>, vector<16xi32>
    %masked_sort3A_1197 = arith.constant dense<true> : vector<16xi1>
    %masked_sort3A_1198, %masked_sort3A_1199, %masked_sort3A_1200 = tpu.sort %select_n3A_1195, %select_n3A_1196 masked %masked_sort3A_1197 : (vector<16xf32>, vector<16xi32>, vector<16xi1>) -> (vector<16xi1>, vector<16xf32>, vector<16xi32>)
    %rev3A_1201 = arith.constant 15 : i32
    %rev3A_1202 = vector.broadcast %rev3A_1201 : i32 to vector<16xi32>
    %rev3A_1203 = tpu.iota {dimensions = array<i32: 0>} : vector<16xi32>
    %rev3A_1204 = arith.subi %rev3A_1202, %rev3A_1203 : vector<16xi32>
    %rev3A_1205 = tpu.dynamic_gather %masked_sort3A_774[%rev3A_1204] in [0] : vector<16xf32>, vector<16xi32> -> vector<16xf32>
    %rev3A_1206 = arith.constant 15 : i32
    %rev3A_1207 = vector.broadcast %rev3A_1206 : i32 to vector<16xi32>
    %rev3A_1208 = tpu.iota {dimensions = array<i32: 0>} : vector<16xi32>
    %rev3A_1209 = arith.subi %rev3A_1207, %rev3A_1208 : vector<16xi32>
    %rev3A_1210 = tpu.dynamic_gather %masked_sort3A_775[%rev3A_1209] in [0] : vector<16xi32>, vector<16xi32> -> vector<16xi32>
    %le3A_1211 = arith.cmpf ole, %masked_sort3A_757, %rev3A_1205 : vector<16xf32>
    %select_n3A_1212 = arith.select %le3A_1211, %masked_sort3A_757, %rev3A_1205 : vector<16xi1>, vector<16xf32>
    %select_n3A_1213 = arith.select %le3A_1211, %masked_sort3A_758, %rev3A_1210 : vector<16xi1>, vector<16xi32>
    %masked_sort3A_1214 = arith.constant dense<true> : vector<16xi1>
    %masked_sort3A_1215, %masked_sort3A_1216, %masked_sort3A_1217 = tpu.sort %select_n3A_1212, %select_n3A_1213 masked %masked_sort3A_1214 : (vector<16xf32>, vector<16xi32>, vector<16xi1>) -> (vector<16xi1>, vector<16xf32>, vector<16xi32>)
    %rev3A_1218 = arith.constant 15 : i32
    %rev3A_1219 = vector.broadcast %rev3A_1218 : i32 to vector<16xi32>
    %rev3A_1220 = tpu.iota {dimensions = array<i32: 0>} : vector<16xi32>
    %rev3A_1221 = arith.subi %rev3A_1219, %rev3A_1220 : vector<16xi32>
    %rev3A_1222 = tpu.dynamic_gather %masked_sort3A_808[%rev3A_1221] in [0] : vector<16xf32>, vector<16xi32> -> vector<16xf32>
    %rev3A_1223 = arith.constant 15 : i32
    %rev3A_1224 = vector.broadcast %rev3A_1223 : i32 to vector<16xi32>
    %rev3A_1225 = tpu.iota {dimensions = array<i32: 0>} : vector<16xi32>
    %rev3A_1226 = arith.subi %rev3A_1224, %rev3A_1225 : vector<16xi32>
    %rev3A_1227 = tpu.dynamic_gather %masked_sort3A_809[%rev3A_1226] in [0] : vector<16xi32>, vector<16xi32> -> vector<16xi32>
    %le3A_1228 = arith.cmpf ole, %masked_sort3A_791, %rev3A_1222 : vector<16xf32>
    %select_n3A_1229 = arith.select %le3A_1228, %masked_sort3A_791, %rev3A_1222 : vector<16xi1>, vector<16xf32>
    %select_n3A_1230 = arith.select %le3A_1228, %masked_sort3A_792, %rev3A_1227 : vector<16xi1>, vector<16xi32>
    %masked_sort3A_1231 = arith.constant dense<true> : vector<16xi1>
    %masked_sort3A_1232, %masked_sort3A_1233, %masked_sort3A_1234 = tpu.sort %select_n3A_1229, %select_n3A_1230 masked %masked_sort3A_1231 : (vector<16xf32>, vector<16xi32>, vector<16xi1>) -> (vector<16xi1>, vector<16xf32>, vector<16xi32>)
    %rev3A_1235 = arith.constant 15 : i32
    %rev3A_1236 = vector.broadcast %rev3A_1235 : i32 to vector<16xi32>
    %rev3A_1237 = tpu.iota {dimensions = array<i32: 0>} : vector<16xi32>
    %rev3A_1238 = arith.subi %rev3A_1236, %rev3A_1237 : vector<16xi32>
    %rev3A_1239 = tpu.dynamic_gather %masked_sort3A_842[%rev3A_1238] in [0] : vector<16xf32>, vector<16xi32> -> vector<16xf32>
    %rev3A_1240 = arith.constant 15 : i32
    %rev3A_1241 = vector.broadcast %rev3A_1240 : i32 to vector<16xi32>
    %rev3A_1242 = tpu.iota {dimensions = array<i32: 0>} : vector<16xi32>
    %rev3A_1243 = arith.subi %rev3A_1241, %rev3A_1242 : vector<16xi32>
    %rev3A_1244 = tpu.dynamic_gather %masked_sort3A_843[%rev3A_1243] in [0] : vector<16xi32>, vector<16xi32> -> vector<16xi32>
    %le3A_1245 = arith.cmpf ole, %masked_sort3A_825, %rev3A_1239 : vector<16xf32>
    %select_n3A_1246 = arith.select %le3A_1245, %masked_sort3A_825, %rev3A_1239 : vector<16xi1>, vector<16xf32>
    %select_n3A_1247 = arith.select %le3A_1245, %masked_sort3A_826, %rev3A_1244 : vector<16xi1>, vector<16xi32>
    %masked_sort3A_1248 = arith.constant dense<true> : vector<16xi1>
    %masked_sort3A_1249, %masked_sort3A_1250, %masked_sort3A_1251 = tpu.sort %select_n3A_1246, %select_n3A_1247 masked %masked_sort3A_1248 : (vector<16xf32>, vector<16xi32>, vector<16xi1>) -> (vector<16xi1>, vector<16xf32>, vector<16xi32>)
    %rev3A_1252 = arith.constant 15 : i32
    %rev3A_1253 = vector.broadcast %rev3A_1252 : i32 to vector<16xi32>
    %rev3A_1254 = tpu.iota {dimensions = array<i32: 0>} : vector<16xi32>
    %rev3A_1255 = arith.subi %rev3A_1253, %rev3A_1254 : vector<16xi32>
    %rev3A_1256 = tpu.dynamic_gather %masked_sort3A_876[%rev3A_1255] in [0] : vector<16xf32>, vector<16xi32> -> vector<16xf32>
    %rev3A_1257 = arith.constant 15 : i32
    %rev3A_1258 = vector.broadcast %rev3A_1257 : i32 to vector<16xi32>
    %rev3A_1259 = tpu.iota {dimensions = array<i32: 0>} : vector<16xi32>
    %rev3A_1260 = arith.subi %rev3A_1258, %rev3A_1259 : vector<16xi32>
    %rev3A_1261 = tpu.dynamic_gather %masked_sort3A_877[%rev3A_1260] in [0] : vector<16xi32>, vector<16xi32> -> vector<16xi32>
    %le3A_1262 = arith.cmpf ole, %masked_sort3A_859, %rev3A_1256 : vector<16xf32>
    %select_n3A_1263 = arith.select %le3A_1262, %masked_sort3A_859, %rev3A_1256 : vector<16xi1>, vector<16xf32>
    %select_n3A_1264 = arith.select %le3A_1262, %masked_sort3A_860, %rev3A_1261 : vector<16xi1>, vector<16xi32>
    %masked_sort3A_1265 = arith.constant dense<true> : vector<16xi1>
    %masked_sort3A_1266, %masked_sort3A_1267, %masked_sort3A_1268 = tpu.sort %select_n3A_1263, %select_n3A_1264 masked %masked_sort3A_1265 : (vector<16xf32>, vector<16xi32>, vector<16xi1>) -> (vector<16xi1>, vector<16xf32>, vector<16xi32>)
    %rev3A_1269 = arith.constant 15 : i32
    %rev3A_1270 = vector.broadcast %rev3A_1269 : i32 to vector<16xi32>
    %rev3A_1271 = tpu.iota {dimensions = array<i32: 0>} : vector<16xi32>
    %rev3A_1272 = arith.subi %rev3A_1270, %rev3A_1271 : vector<16xi32>
    %rev3A_1273 = tpu.dynamic_gather %masked_sort3A_910[%rev3A_1272] in [0] : vector<16xf32>, vector<16xi32> -> vector<16xf32>
    %rev3A_1274 = arith.constant 15 : i32
    %rev3A_1275 = vector.broadcast %rev3A_1274 : i32 to vector<16xi32>
    %rev3A_1276 = tpu.iota {dimensions = array<i32: 0>} : vector<16xi32>
    %rev3A_1277 = arith.subi %rev3A_1275, %rev3A_1276 : vector<16xi32>
    %rev3A_1278 = tpu.dynamic_gather %masked_sort3A_911[%rev3A_1277] in [0] : vector<16xi32>, vector<16xi32> -> vector<16xi32>
    %le3A_1279 = arith.cmpf ole, %masked_sort3A_893, %rev3A_1273 : vector<16xf32>
    %select_n3A_1280 = arith.select %le3A_1279, %masked_sort3A_893, %rev3A_1273 : vector<16xi1>, vector<16xf32>
    %select_n3A_1281 = arith.select %le3A_1279, %masked_sort3A_894, %rev3A_1278 : vector<16xi1>, vector<16xi32>
    %masked_sort3A_1282 = arith.constant dense<true> : vector<16xi1>
    %masked_sort3A_1283, %masked_sort3A_1284, %masked_sort3A_1285 = tpu.sort %select_n3A_1280, %select_n3A_1281 masked %masked_sort3A_1282 : (vector<16xf32>, vector<16xi32>, vector<16xi1>) -> (vector<16xi1>, vector<16xf32>, vector<16xi32>)
    %rev3A_1286 = arith.constant 15 : i32
    %rev3A_1287 = vector.broadcast %rev3A_1286 : i32 to vector<16xi32>
    %rev3A_1288 = tpu.iota {dimensions = array<i32: 0>} : vector<16xi32>
    %rev3A_1289 = arith.subi %rev3A_1287, %rev3A_1288 : vector<16xi32>
    %rev3A_1290 = tpu.dynamic_gather %masked_sort3A_944[%rev3A_1289] in [0] : vector<16xf32>, vector<16xi32> -> vector<16xf32>
    %rev3A_1291 = arith.constant 15 : i32
    %rev3A_1292 = vector.broadcast %rev3A_1291 : i32 to vector<16xi32>
    %rev3A_1293 = tpu.iota {dimensions = array<i32: 0>} : vector<16xi32>
    %rev3A_1294 = arith.subi %rev3A_1292, %rev3A_1293 : vector<16xi32>
    %rev3A_1295 = tpu.dynamic_gather %masked_sort3A_945[%rev3A_1294] in [0] : vector<16xi32>, vector<16xi32> -> vector<16xi32>
    %le3A_1296 = arith.cmpf ole, %masked_sort3A_927, %rev3A_1290 : vector<16xf32>
    %select_n3A_1297 = arith.select %le3A_1296, %masked_sort3A_927, %rev3A_1290 : vector<16xi1>, vector<16xf32>
    %select_n3A_1298 = arith.select %le3A_1296, %masked_sort3A_928, %rev3A_1295 : vector<16xi1>, vector<16xi32>
    %masked_sort3A_1299 = arith.constant dense<true> : vector<16xi1>
    %masked_sort3A_1300, %masked_sort3A_1301, %masked_sort3A_1302 = tpu.sort %select_n3A_1297, %select_n3A_1298 masked %masked_sort3A_1299 : (vector<16xf32>, vector<16xi32>, vector<16xi1>) -> (vector<16xi1>, vector<16xf32>, vector<16xi32>)
    %rev3A_1303 = arith.constant 15 : i32
    %rev3A_1304 = vector.broadcast %rev3A_1303 : i32 to vector<16xi32>
    %rev3A_1305 = tpu.iota {dimensions = array<i32: 0>} : vector<16xi32>
    %rev3A_1306 = arith.subi %rev3A_1304, %rev3A_1305 : vector<16xi32>
    %rev3A_1307 = tpu.dynamic_gather %masked_sort3A_978[%rev3A_1306] in [0] : vector<16xf32>, vector<16xi32> -> vector<16xf32>
    %rev3A_1308 = arith.constant 15 : i32
    %rev3A_1309 = vector.broadcast %rev3A_1308 : i32 to vector<16xi32>
    %rev3A_1310 = tpu.iota {dimensions = array<i32: 0>} : vector<16xi32>
    %rev3A_1311 = arith.subi %rev3A_1309, %rev3A_1310 : vector<16xi32>
    %rev3A_1312 = tpu.dynamic_gather %masked_sort3A_979[%rev3A_1311] in [0] : vector<16xi32>, vector<16xi32> -> vector<16xi32>
    %le3A_1313 = arith.cmpf ole, %masked_sort3A_961, %rev3A_1307 : vector<16xf32>
    %select_n3A_1314 = arith.select %le3A_1313, %masked_sort3A_961, %rev3A_1307 : vector<16xi1>, vector<16xf32>
    %select_n3A_1315 = arith.select %le3A_1313, %masked_sort3A_962, %rev3A_1312 : vector<16xi1>, vector<16xi32>
    %masked_sort3A_1316 = arith.constant dense<true> : vector<16xi1>
    %masked_sort3A_1317, %masked_sort3A_1318, %masked_sort3A_1319 = tpu.sort %select_n3A_1314, %select_n3A_1315 masked %masked_sort3A_1316 : (vector<16xf32>, vector<16xi32>, vector<16xi1>) -> (vector<16xi1>, vector<16xf32>, vector<16xi32>)
    %rev3A_1320 = arith.constant 15 : i32
    %rev3A_1321 = vector.broadcast %rev3A_1320 : i32 to vector<16xi32>
    %rev3A_1322 = tpu.iota {dimensions = array<i32: 0>} : vector<16xi32>
    %rev3A_1323 = arith.subi %rev3A_1321, %rev3A_1322 : vector<16xi32>
    %rev3A_1324 = tpu.dynamic_gather %masked_sort3A_1012[%rev3A_1323] in [0] : vector<16xf32>, vector<16xi32> -> vector<16xf32>
    %rev3A_1325 = arith.constant 15 : i32
    %rev3A_1326 = vector.broadcast %rev3A_1325 : i32 to vector<16xi32>
    %rev3A_1327 = tpu.iota {dimensions = array<i32: 0>} : vector<16xi32>
    %rev3A_1328 = arith.subi %rev3A_1326, %rev3A_1327 : vector<16xi32>
    %rev3A_1329 = tpu.dynamic_gather %masked_sort3A_1013[%rev3A_1328] in [0] : vector<16xi32>, vector<16xi32> -> vector<16xi32>
    %le3A_1330 = arith.cmpf ole, %masked_sort3A_995, %rev3A_1324 : vector<16xf32>
    %select_n3A_1331 = arith.select %le3A_1330, %masked_sort3A_995, %rev3A_1324 : vector<16xi1>, vector<16xf32>
    %select_n3A_1332 = arith.select %le3A_1330, %masked_sort3A_996, %rev3A_1329 : vector<16xi1>, vector<16xi32>
    %masked_sort3A_1333 = arith.constant dense<true> : vector<16xi1>
    %masked_sort3A_1334, %masked_sort3A_1335, %masked_sort3A_1336 = tpu.sort %select_n3A_1331, %select_n3A_1332 masked %masked_sort3A_1333 : (vector<16xf32>, vector<16xi32>, vector<16xi1>) -> (vector<16xi1>, vector<16xf32>, vector<16xi32>)
    %rev3A_1337 = arith.constant 15 : i32
    %rev3A_1338 = vector.broadcast %rev3A_1337 : i32 to vector<16xi32>
    %rev3A_1339 = tpu.iota {dimensions = array<i32: 0>} : vector<16xi32>
    %rev3A_1340 = arith.subi %rev3A_1338, %rev3A_1339 : vector<16xi32>
    %rev3A_1341 = tpu.dynamic_gather %masked_sort3A_1046[%rev3A_1340] in [0] : vector<16xf32>, vector<16xi32> -> vector<16xf32>
    %rev3A_1342 = arith.constant 15 : i32
    %rev3A_1343 = vector.broadcast %rev3A_1342 : i32 to vector<16xi32>
    %rev3A_1344 = tpu.iota {dimensions = array<i32: 0>} : vector<16xi32>
    %rev3A_1345 = arith.subi %rev3A_1343, %rev3A_1344 : vector<16xi32>
    %rev3A_1346 = tpu.dynamic_gather %masked_sort3A_1047[%rev3A_1345] in [0] : vector<16xi32>, vector<16xi32> -> vector<16xi32>
    %le3A_1347 = arith.cmpf ole, %masked_sort3A_1029, %rev3A_1341 : vector<16xf32>
    %select_n3A_1348 = arith.select %le3A_1347, %masked_sort3A_1029, %rev3A_1341 : vector<16xi1>, vector<16xf32>
    %select_n3A_1349 = arith.select %le3A_1347, %masked_sort3A_1030, %rev3A_1346 : vector<16xi1>, vector<16xi32>
    %masked_sort3A_1350 = arith.constant dense<true> : vector<16xi1>
    %masked_sort3A_1351, %masked_sort3A_1352, %masked_sort3A_1353 = tpu.sort %select_n3A_1348, %select_n3A_1349 masked %masked_sort3A_1350 : (vector<16xf32>, vector<16xi32>, vector<16xi1>) -> (vector<16xi1>, vector<16xf32>, vector<16xi32>)
    %rev3A_1354 = arith.constant 15 : i32
    %rev3A_1355 = vector.broadcast %rev3A_1354 : i32 to vector<16xi32>
    %rev3A_1356 = tpu.iota {dimensions = array<i32: 0>} : vector<16xi32>
    %rev3A_1357 = arith.subi %rev3A_1355, %rev3A_1356 : vector<16xi32>
    %rev3A_1358 = tpu.dynamic_gather %masked_sort3A_1080[%rev3A_1357] in [0] : vector<16xf32>, vector<16xi32> -> vector<16xf32>
    %rev3A_1359 = arith.constant 15 : i32
    %rev3A_1360 = vector.broadcast %rev3A_1359 : i32 to vector<16xi32>
    %rev3A_1361 = tpu.iota {dimensions = array<i32: 0>} : vector<16xi32>
    %rev3A_1362 = arith.subi %rev3A_1360, %rev3A_1361 : vector<16xi32>
    %rev3A_1363 = tpu.dynamic_gather %masked_sort3A_1081[%rev3A_1362] in [0] : vector<16xi32>, vector<16xi32> -> vector<16xi32>
    %le3A_1364 = arith.cmpf ole, %masked_sort3A_1063, %rev3A_1358 : vector<16xf32>
    %select_n3A_1365 = arith.select %le3A_1364, %masked_sort3A_1063, %rev3A_1358 : vector<16xi1>, vector<16xf32>
    %select_n3A_1366 = arith.select %le3A_1364, %masked_sort3A_1064, %rev3A_1363 : vector<16xi1>, vector<16xi32>
    %masked_sort3A_1367 = arith.constant dense<true> : vector<16xi1>
    %masked_sort3A_1368, %masked_sort3A_1369, %masked_sort3A_1370 = tpu.sort %select_n3A_1365, %select_n3A_1366 masked %masked_sort3A_1367 : (vector<16xf32>, vector<16xi32>, vector<16xi1>) -> (vector<16xi1>, vector<16xf32>, vector<16xi32>)
    %rev3A_1371 = arith.constant 15 : i32
    %rev3A_1372 = vector.broadcast %rev3A_1371 : i32 to vector<16xi32>
    %rev3A_1373 = tpu.iota {dimensions = array<i32: 0>} : vector<16xi32>
    %rev3A_1374 = arith.subi %rev3A_1372, %rev3A_1373 : vector<16xi32>
    %rev3A_1375 = tpu.dynamic_gather %masked_sort3A_1114[%rev3A_1374] in [0] : vector<16xf32>, vector<16xi32> -> vector<16xf32>
    %rev3A_1376 = arith.constant 15 : i32
    %rev3A_1377 = vector.broadcast %rev3A_1376 : i32 to vector<16xi32>
    %rev3A_1378 = tpu.iota {dimensions = array<i32: 0>} : vector<16xi32>
    %rev3A_1379 = arith.subi %rev3A_1377, %rev3A_1378 : vector<16xi32>
    %rev3A_1380 = tpu.dynamic_gather %masked_sort3A_1115[%rev3A_1379] in [0] : vector<16xi32>, vector<16xi32> -> vector<16xi32>
    %le3A_1381 = arith.cmpf ole, %masked_sort3A_1097, %rev3A_1375 : vector<16xf32>
    %select_n3A_1382 = arith.select %le3A_1381, %masked_sort3A_1097, %rev3A_1375 : vector<16xi1>, vector<16xf32>
    %select_n3A_1383 = arith.select %le3A_1381, %masked_sort3A_1098, %rev3A_1380 : vector<16xi1>, vector<16xi32>
    %masked_sort3A_1384 = arith.constant dense<true> : vector<16xi1>
    %masked_sort3A_1385, %masked_sort3A_1386, %masked_sort3A_1387 = tpu.sort %select_n3A_1382, %select_n3A_1383 masked %masked_sort3A_1384 : (vector<16xf32>, vector<16xi32>, vector<16xi1>) -> (vector<16xi1>, vector<16xf32>, vector<16xi32>)
    %rev3A_1388 = arith.constant 15 : i32
    %rev3A_1389 = vector.broadcast %rev3A_1388 : i32 to vector<16xi32>
    %rev3A_1390 = tpu.iota {dimensions = array<i32: 0>} : vector<16xi32>
    %rev3A_1391 = arith.subi %rev3A_1389, %rev3A_1390 : vector<16xi32>
    %rev3A_1392 = tpu.dynamic_gather %masked_sort3A_1148[%rev3A_1391] in [0] : vector<16xf32>, vector<16xi32> -> vector<16xf32>
    %rev3A_1393 = arith.constant 15 : i32
    %rev3A_1394 = vector.broadcast %rev3A_1393 : i32 to vector<16xi32>
    %rev3A_1395 = tpu.iota {dimensions = array<i32: 0>} : vector<16xi32>
    %rev3A_1396 = arith.subi %rev3A_1394, %rev3A_1395 : vector<16xi32>
    %rev3A_1397 = tpu.dynamic_gather %masked_sort3A_1149[%rev3A_1396] in [0] : vector<16xi32>, vector<16xi32> -> vector<16xi32>
    %le3A_1398 = arith.cmpf ole, %masked_sort3A_1131, %rev3A_1392 : vector<16xf32>
    %select_n3A_1399 = arith.select %le3A_1398, %masked_sort3A_1131, %rev3A_1392 : vector<16xi1>, vector<16xf32>
    %select_n3A_1400 = arith.select %le3A_1398, %masked_sort3A_1132, %rev3A_1397 : vector<16xi1>, vector<16xi32>
    %masked_sort3A_1401 = arith.constant dense<true> : vector<16xi1>
    %masked_sort3A_1402, %masked_sort3A_1403, %masked_sort3A_1404 = tpu.sort %select_n3A_1399, %select_n3A_1400 masked %masked_sort3A_1401 : (vector<16xf32>, vector<16xi32>, vector<16xi1>) -> (vector<16xi1>, vector<16xf32>, vector<16xi32>)
    %rev3A_1405 = arith.constant 15 : i32
    %rev3A_1406 = vector.broadcast %rev3A_1405 : i32 to vector<16xi32>
    %rev3A_1407 = tpu.iota {dimensions = array<i32: 0>} : vector<16xi32>
    %rev3A_1408 = arith.subi %rev3A_1406, %rev3A_1407 : vector<16xi32>
    %rev3A_1409 = tpu.dynamic_gather %masked_sort3A_1182[%rev3A_1408] in [0] : vector<16xf32>, vector<16xi32> -> vector<16xf32>
    %rev3A_1410 = arith.constant 15 : i32
    %rev3A_1411 = vector.broadcast %rev3A_1410 : i32 to vector<16xi32>
    %rev3A_1412 = tpu.iota {dimensions = array<i32: 0>} : vector<16xi32>
    %rev3A_1413 = arith.subi %rev3A_1411, %rev3A_1412 : vector<16xi32>
    %rev3A_1414 = tpu.dynamic_gather %masked_sort3A_1183[%rev3A_1413] in [0] : vector<16xi32>, vector<16xi32> -> vector<16xi32>
    %le3A_1415 = arith.cmpf ole, %masked_sort3A_1165, %rev3A_1409 : vector<16xf32>
    %select_n3A_1416 = arith.select %le3A_1415, %masked_sort3A_1165, %rev3A_1409 : vector<16xi1>, vector<16xf32>
    %select_n3A_1417 = arith.select %le3A_1415, %masked_sort3A_1166, %rev3A_1414 : vector<16xi1>, vector<16xi32>
    %masked_sort3A_1418 = arith.constant dense<true> : vector<16xi1>
    %masked_sort3A_1419, %masked_sort3A_1420, %masked_sort3A_1421 = tpu.sort %select_n3A_1416, %select_n3A_1417 masked %masked_sort3A_1418 : (vector<16xf32>, vector<16xi32>, vector<16xi1>) -> (vector<16xi1>, vector<16xf32>, vector<16xi32>)
    %rev3A_1422 = arith.constant 15 : i32
    %rev3A_1423 = vector.broadcast %rev3A_1422 : i32 to vector<16xi32>
    %rev3A_1424 = tpu.iota {dimensions = array<i32: 0>} : vector<16xi32>
    %rev3A_1425 = arith.subi %rev3A_1423, %rev3A_1424 : vector<16xi32>
    %rev3A_1426 = tpu.dynamic_gather %masked_sort3A_1216[%rev3A_1425] in [0] : vector<16xf32>, vector<16xi32> -> vector<16xf32>
    %rev3A_1427 = arith.constant 15 : i32
    %rev3A_1428 = vector.broadcast %rev3A_1427 : i32 to vector<16xi32>
    %rev3A_1429 = tpu.iota {dimensions = array<i32: 0>} : vector<16xi32>
    %rev3A_1430 = arith.subi %rev3A_1428, %rev3A_1429 : vector<16xi32>
    %rev3A_1431 = tpu.dynamic_gather %masked_sort3A_1217[%rev3A_1430] in [0] : vector<16xi32>, vector<16xi32> -> vector<16xi32>
    %le3A_1432 = arith.cmpf ole, %masked_sort3A_1199, %rev3A_1426 : vector<16xf32>
    %select_n3A_1433 = arith.select %le3A_1432, %masked_sort3A_1199, %rev3A_1426 : vector<16xi1>, vector<16xf32>
    %select_n3A_1434 = arith.select %le3A_1432, %masked_sort3A_1200, %rev3A_1431 : vector<16xi1>, vector<16xi32>
    %masked_sort3A_1435 = arith.constant dense<true> : vector<16xi1>
    %masked_sort3A_1436, %masked_sort3A_1437, %masked_sort3A_1438 = tpu.sort %select_n3A_1433, %select_n3A_1434 masked %masked_sort3A_1435 : (vector<16xf32>, vector<16xi32>, vector<16xi1>) -> (vector<16xi1>, vector<16xf32>, vector<16xi32>)
    %rev3A_1439 = arith.constant 15 : i32
    %rev3A_1440 = vector.broadcast %rev3A_1439 : i32 to vector<16xi32>
    %rev3A_1441 = tpu.iota {dimensions = array<i32: 0>} : vector<16xi32>
    %rev3A_1442 = arith.subi %rev3A_1440, %rev3A_1441 : vector<16xi32>
    %rev3A_1443 = tpu.dynamic_gather %masked_sort3A_1250[%rev3A_1442] in [0] : vector<16xf32>, vector<16xi32> -> vector<16xf32>
    %rev3A_1444 = arith.constant 15 : i32
    %rev3A_1445 = vector.broadcast %rev3A_1444 : i32 to vector<16xi32>
    %rev3A_1446 = tpu.iota {dimensions = array<i32: 0>} : vector<16xi32>
    %rev3A_1447 = arith.subi %rev3A_1445, %rev3A_1446 : vector<16xi32>
    %rev3A_1448 = tpu.dynamic_gather %masked_sort3A_1251[%rev3A_1447] in [0] : vector<16xi32>, vector<16xi32> -> vector<16xi32>
    %le3A_1449 = arith.cmpf ole, %masked_sort3A_1233, %rev3A_1443 : vector<16xf32>
    %select_n3A_1450 = arith.select %le3A_1449, %masked_sort3A_1233, %rev3A_1443 : vector<16xi1>, vector<16xf32>
    %select_n3A_1451 = arith.select %le3A_1449, %masked_sort3A_1234, %rev3A_1448 : vector<16xi1>, vector<16xi32>
    %masked_sort3A_1452 = arith.constant dense<true> : vector<16xi1>
    %masked_sort3A_1453, %masked_sort3A_1454, %masked_sort3A_1455 = tpu.sort %select_n3A_1450, %select_n3A_1451 masked %masked_sort3A_1452 : (vector<16xf32>, vector<16xi32>, vector<16xi1>) -> (vector<16xi1>, vector<16xf32>, vector<16xi32>)
    %rev3A_1456 = arith.constant 15 : i32
    %rev3A_1457 = vector.broadcast %rev3A_1456 : i32 to vector<16xi32>
    %rev3A_1458 = tpu.iota {dimensions = array<i32: 0>} : vector<16xi32>
    %rev3A_1459 = arith.subi %rev3A_1457, %rev3A_1458 : vector<16xi32>
    %rev3A_1460 = tpu.dynamic_gather %masked_sort3A_1284[%rev3A_1459] in [0] : vector<16xf32>, vector<16xi32> -> vector<16xf32>
    %rev3A_1461 = arith.constant 15 : i32
    %rev3A_1462 = vector.broadcast %rev3A_1461 : i32 to vector<16xi32>
    %rev3A_1463 = tpu.iota {dimensions = array<i32: 0>} : vector<16xi32>
    %rev3A_1464 = arith.subi %rev3A_1462, %rev3A_1463 : vector<16xi32>
    %rev3A_1465 = tpu.dynamic_gather %masked_sort3A_1285[%rev3A_1464] in [0] : vector<16xi32>, vector<16xi32> -> vector<16xi32>
    %le3A_1466 = arith.cmpf ole, %masked_sort3A_1267, %rev3A_1460 : vector<16xf32>
    %select_n3A_1467 = arith.select %le3A_1466, %masked_sort3A_1267, %rev3A_1460 : vector<16xi1>, vector<16xf32>
    %select_n3A_1468 = arith.select %le3A_1466, %masked_sort3A_1268, %rev3A_1465 : vector<16xi1>, vector<16xi32>
    %masked_sort3A_1469 = arith.constant dense<true> : vector<16xi1>
    %masked_sort3A_1470, %masked_sort3A_1471, %masked_sort3A_1472 = tpu.sort %select_n3A_1467, %select_n3A_1468 masked %masked_sort3A_1469 : (vector<16xf32>, vector<16xi32>, vector<16xi1>) -> (vector<16xi1>, vector<16xf32>, vector<16xi32>)
    %rev3A_1473 = arith.constant 15 : i32
    %rev3A_1474 = vector.broadcast %rev3A_1473 : i32 to vector<16xi32>
    %rev3A_1475 = tpu.iota {dimensions = array<i32: 0>} : vector<16xi32>
    %rev3A_1476 = arith.subi %rev3A_1474, %rev3A_1475 : vector<16xi32>
    %rev3A_1477 = tpu.dynamic_gather %masked_sort3A_1318[%rev3A_1476] in [0] : vector<16xf32>, vector<16xi32> -> vector<16xf32>
    %rev3A_1478 = arith.constant 15 : i32
    %rev3A_1479 = vector.broadcast %rev3A_1478 : i32 to vector<16xi32>
    %rev3A_1480 = tpu.iota {dimensions = array<i32: 0>} : vector<16xi32>
    %rev3A_1481 = arith.subi %rev3A_1479, %rev3A_1480 : vector<16xi32>
    %rev3A_1482 = tpu.dynamic_gather %masked_sort3A_1319[%rev3A_1481] in [0] : vector<16xi32>, vector<16xi32> -> vector<16xi32>
    %le3A_1483 = arith.cmpf ole, %masked_sort3A_1301, %rev3A_1477 : vector<16xf32>
    %select_n3A_1484 = arith.select %le3A_1483, %masked_sort3A_1301, %rev3A_1477 : vector<16xi1>, vector<16xf32>
    %select_n3A_1485 = arith.select %le3A_1483, %masked_sort3A_1302, %rev3A_1482 : vector<16xi1>, vector<16xi32>
    %masked_sort3A_1486 = arith.constant dense<true> : vector<16xi1>
    %masked_sort3A_1487, %masked_sort3A_1488, %masked_sort3A_1489 = tpu.sort %select_n3A_1484, %select_n3A_1485 masked %masked_sort3A_1486 : (vector<16xf32>, vector<16xi32>, vector<16xi1>) -> (vector<16xi1>, vector<16xf32>, vector<16xi32>)
    %rev3A_1490 = arith.constant 15 : i32
    %rev3A_1491 = vector.broadcast %rev3A_1490 : i32 to vector<16xi32>
    %rev3A_1492 = tpu.iota {dimensions = array<i32: 0>} : vector<16xi32>
    %rev3A_1493 = arith.subi %rev3A_1491, %rev3A_1492 : vector<16xi32>
    %rev3A_1494 = tpu.dynamic_gather %masked_sort3A_1352[%rev3A_1493] in [0] : vector<16xf32>, vector<16xi32> -> vector<16xf32>
    %rev3A_1495 = arith.constant 15 : i32
    %rev3A_1496 = vector.broadcast %rev3A_1495 : i32 to vector<16xi32>
    %rev3A_1497 = tpu.iota {dimensions = array<i32: 0>} : vector<16xi32>
    %rev3A_1498 = arith.subi %rev3A_1496, %rev3A_1497 : vector<16xi32>
    %rev3A_1499 = tpu.dynamic_gather %masked_sort3A_1353[%rev3A_1498] in [0] : vector<16xi32>, vector<16xi32> -> vector<16xi32>
    %le3A_1500 = arith.cmpf ole, %masked_sort3A_1335, %rev3A_1494 : vector<16xf32>
    %select_n3A_1501 = arith.select %le3A_1500, %masked_sort3A_1335, %rev3A_1494 : vector<16xi1>, vector<16xf32>
    %select_n3A_1502 = arith.select %le3A_1500, %masked_sort3A_1336, %rev3A_1499 : vector<16xi1>, vector<16xi32>
    %masked_sort3A_1503 = arith.constant dense<true> : vector<16xi1>
    %masked_sort3A_1504, %masked_sort3A_1505, %masked_sort3A_1506 = tpu.sort %select_n3A_1501, %select_n3A_1502 masked %masked_sort3A_1503 : (vector<16xf32>, vector<16xi32>, vector<16xi1>) -> (vector<16xi1>, vector<16xf32>, vector<16xi32>)
    %rev3A_1507 = arith.constant 15 : i32
    %rev3A_1508 = vector.broadcast %rev3A_1507 : i32 to vector<16xi32>
    %rev3A_1509 = tpu.iota {dimensions = array<i32: 0>} : vector<16xi32>
    %rev3A_1510 = arith.subi %rev3A_1508, %rev3A_1509 : vector<16xi32>
    %rev3A_1511 = tpu.dynamic_gather %masked_sort3A_1386[%rev3A_1510] in [0] : vector<16xf32>, vector<16xi32> -> vector<16xf32>
    %rev3A_1512 = arith.constant 15 : i32
    %rev3A_1513 = vector.broadcast %rev3A_1512 : i32 to vector<16xi32>
    %rev3A_1514 = tpu.iota {dimensions = array<i32: 0>} : vector<16xi32>
    %rev3A_1515 = arith.subi %rev3A_1513, %rev3A_1514 : vector<16xi32>
    %rev3A_1516 = tpu.dynamic_gather %masked_sort3A_1387[%rev3A_1515] in [0] : vector<16xi32>, vector<16xi32> -> vector<16xi32>
    %le3A_1517 = arith.cmpf ole, %masked_sort3A_1369, %rev3A_1511 : vector<16xf32>
    %select_n3A_1518 = arith.select %le3A_1517, %masked_sort3A_1369, %rev3A_1511 : vector<16xi1>, vector<16xf32>
    %select_n3A_1519 = arith.select %le3A_1517, %masked_sort3A_1370, %rev3A_1516 : vector<16xi1>, vector<16xi32>
    %masked_sort3A_1520 = arith.constant dense<true> : vector<16xi1>
    %masked_sort3A_1521, %masked_sort3A_1522, %masked_sort3A_1523 = tpu.sort %select_n3A_1518, %select_n3A_1519 masked %masked_sort3A_1520 : (vector<16xf32>, vector<16xi32>, vector<16xi1>) -> (vector<16xi1>, vector<16xf32>, vector<16xi32>)
    %rev3A_1524 = arith.constant 15 : i32
    %rev3A_1525 = vector.broadcast %rev3A_1524 : i32 to vector<16xi32>
    %rev3A_1526 = tpu.iota {dimensions = array<i32: 0>} : vector<16xi32>
    %rev3A_1527 = arith.subi %rev3A_1525, %rev3A_1526 : vector<16xi32>
    %rev3A_1528 = tpu.dynamic_gather %masked_sort3A_1420[%rev3A_1527] in [0] : vector<16xf32>, vector<16xi32> -> vector<16xf32>
    %rev3A_1529 = arith.constant 15 : i32
    %rev3A_1530 = vector.broadcast %rev3A_1529 : i32 to vector<16xi32>
    %rev3A_1531 = tpu.iota {dimensions = array<i32: 0>} : vector<16xi32>
    %rev3A_1532 = arith.subi %rev3A_1530, %rev3A_1531 : vector<16xi32>
    %rev3A_1533 = tpu.dynamic_gather %masked_sort3A_1421[%rev3A_1532] in [0] : vector<16xi32>, vector<16xi32> -> vector<16xi32>
    %le3A_1534 = arith.cmpf ole, %masked_sort3A_1403, %rev3A_1528 : vector<16xf32>
    %select_n3A_1535 = arith.select %le3A_1534, %masked_sort3A_1403, %rev3A_1528 : vector<16xi1>, vector<16xf32>
    %select_n3A_1536 = arith.select %le3A_1534, %masked_sort3A_1404, %rev3A_1533 : vector<16xi1>, vector<16xi32>
    %masked_sort3A_1537 = arith.constant dense<true> : vector<16xi1>
    %masked_sort3A_1538, %masked_sort3A_1539, %masked_sort3A_1540 = tpu.sort %select_n3A_1535, %select_n3A_1536 masked %masked_sort3A_1537 : (vector<16xf32>, vector<16xi32>, vector<16xi1>) -> (vector<16xi1>, vector<16xf32>, vector<16xi32>)
    %rev3A_1541 = arith.constant 15 : i32
    %rev3A_1542 = vector.broadcast %rev3A_1541 : i32 to vector<16xi32>
    %rev3A_1543 = tpu.iota {dimensions = array<i32: 0>} : vector<16xi32>
    %rev3A_1544 = arith.subi %rev3A_1542, %rev3A_1543 : vector<16xi32>
    %rev3A_1545 = tpu.dynamic_gather %masked_sort3A_1454[%rev3A_1544] in [0] : vector<16xf32>, vector<16xi32> -> vector<16xf32>
    %rev3A_1546 = arith.constant 15 : i32
    %rev3A_1547 = vector.broadcast %rev3A_1546 : i32 to vector<16xi32>
    %rev3A_1548 = tpu.iota {dimensions = array<i32: 0>} : vector<16xi32>
    %rev3A_1549 = arith.subi %rev3A_1547, %rev3A_1548 : vector<16xi32>
    %rev3A_1550 = tpu.dynamic_gather %masked_sort3A_1455[%rev3A_1549] in [0] : vector<16xi32>, vector<16xi32> -> vector<16xi32>
    %le3A_1551 = arith.cmpf ole, %masked_sort3A_1437, %rev3A_1545 : vector<16xf32>
    %select_n3A_1552 = arith.select %le3A_1551, %masked_sort3A_1437, %rev3A_1545 : vector<16xi1>, vector<16xf32>
    %select_n3A_1553 = arith.select %le3A_1551, %masked_sort3A_1438, %rev3A_1550 : vector<16xi1>, vector<16xi32>
    %masked_sort3A_1554 = arith.constant dense<true> : vector<16xi1>
    %masked_sort3A_1555, %masked_sort3A_1556, %masked_sort3A_1557 = tpu.sort %select_n3A_1552, %select_n3A_1553 masked %masked_sort3A_1554 : (vector<16xf32>, vector<16xi32>, vector<16xi1>) -> (vector<16xi1>, vector<16xf32>, vector<16xi32>)
    %rev3A_1558 = arith.constant 15 : i32
    %rev3A_1559 = vector.broadcast %rev3A_1558 : i32 to vector<16xi32>
    %rev3A_1560 = tpu.iota {dimensions = array<i32: 0>} : vector<16xi32>
    %rev3A_1561 = arith.subi %rev3A_1559, %rev3A_1560 : vector<16xi32>
    %rev3A_1562 = tpu.dynamic_gather %masked_sort3A_1488[%rev3A_1561] in [0] : vector<16xf32>, vector<16xi32> -> vector<16xf32>
    %rev3A_1563 = arith.constant 15 : i32
    %rev3A_1564 = vector.broadcast %rev3A_1563 : i32 to vector<16xi32>
    %rev3A_1565 = tpu.iota {dimensions = array<i32: 0>} : vector<16xi32>
    %rev3A_1566 = arith.subi %rev3A_1564, %rev3A_1565 : vector<16xi32>
    %rev3A_1567 = tpu.dynamic_gather %masked_sort3A_1489[%rev3A_1566] in [0] : vector<16xi32>, vector<16xi32> -> vector<16xi32>
    %le3A_1568 = arith.cmpf ole, %masked_sort3A_1471, %rev3A_1562 : vector<16xf32>
    %select_n3A_1569 = arith.select %le3A_1568, %masked_sort3A_1471, %rev3A_1562 : vector<16xi1>, vector<16xf32>
    %select_n3A_1570 = arith.select %le3A_1568, %masked_sort3A_1472, %rev3A_1567 : vector<16xi1>, vector<16xi32>
    %masked_sort3A_1571 = arith.constant dense<true> : vector<16xi1>
    %masked_sort3A_1572, %masked_sort3A_1573, %masked_sort3A_1574 = tpu.sort %select_n3A_1569, %select_n3A_1570 masked %masked_sort3A_1571 : (vector<16xf32>, vector<16xi32>, vector<16xi1>) -> (vector<16xi1>, vector<16xf32>, vector<16xi32>)
    %rev3A_1575 = arith.constant 15 : i32
    %rev3A_1576 = vector.broadcast %rev3A_1575 : i32 to vector<16xi32>
    %rev3A_1577 = tpu.iota {dimensions = array<i32: 0>} : vector<16xi32>
    %rev3A_1578 = arith.subi %rev3A_1576, %rev3A_1577 : vector<16xi32>
    %rev3A_1579 = tpu.dynamic_gather %masked_sort3A_1522[%rev3A_1578] in [0] : vector<16xf32>, vector<16xi32> -> vector<16xf32>
    %rev3A_1580 = arith.constant 15 : i32
    %rev3A_1581 = vector.broadcast %rev3A_1580 : i32 to vector<16xi32>
    %rev3A_1582 = tpu.iota {dimensions = array<i32: 0>} : vector<16xi32>
    %rev3A_1583 = arith.subi %rev3A_1581, %rev3A_1582 : vector<16xi32>
    %rev3A_1584 = tpu.dynamic_gather %masked_sort3A_1523[%rev3A_1583] in [0] : vector<16xi32>, vector<16xi32> -> vector<16xi32>
    %le3A_1585 = arith.cmpf ole, %masked_sort3A_1505, %rev3A_1579 : vector<16xf32>
    %select_n3A_1586 = arith.select %le3A_1585, %masked_sort3A_1505, %rev3A_1579 : vector<16xi1>, vector<16xf32>
    %select_n3A_1587 = arith.select %le3A_1585, %masked_sort3A_1506, %rev3A_1584 : vector<16xi1>, vector<16xi32>
    %masked_sort3A_1588 = arith.constant dense<true> : vector<16xi1>
    %masked_sort3A_1589, %masked_sort3A_1590, %masked_sort3A_1591 = tpu.sort %select_n3A_1586, %select_n3A_1587 masked %masked_sort3A_1588 : (vector<16xf32>, vector<16xi32>, vector<16xi1>) -> (vector<16xi1>, vector<16xf32>, vector<16xi32>)
    %rev3A_1592 = arith.constant 15 : i32
    %rev3A_1593 = vector.broadcast %rev3A_1592 : i32 to vector<16xi32>
    %rev3A_1594 = tpu.iota {dimensions = array<i32: 0>} : vector<16xi32>
    %rev3A_1595 = arith.subi %rev3A_1593, %rev3A_1594 : vector<16xi32>
    %rev3A_1596 = tpu.dynamic_gather %masked_sort3A_1556[%rev3A_1595] in [0] : vector<16xf32>, vector<16xi32> -> vector<16xf32>
    %rev3A_1597 = arith.constant 15 : i32
    %rev3A_1598 = vector.broadcast %rev3A_1597 : i32 to vector<16xi32>
    %rev3A_1599 = tpu.iota {dimensions = array<i32: 0>} : vector<16xi32>
    %rev3A_1600 = arith.subi %rev3A_1598, %rev3A_1599 : vector<16xi32>
    %rev3A_1601 = tpu.dynamic_gather %masked_sort3A_1557[%rev3A_1600] in [0] : vector<16xi32>, vector<16xi32> -> vector<16xi32>
    %le3A_1602 = arith.cmpf ole, %masked_sort3A_1539, %rev3A_1596 : vector<16xf32>
    %select_n3A_1603 = arith.select %le3A_1602, %masked_sort3A_1539, %rev3A_1596 : vector<16xi1>, vector<16xf32>
    %select_n3A_1604 = arith.select %le3A_1602, %masked_sort3A_1540, %rev3A_1601 : vector<16xi1>, vector<16xi32>
    %masked_sort3A_1605 = arith.constant dense<true> : vector<16xi1>
    %masked_sort3A_1606, %masked_sort3A_1607, %masked_sort3A_1608 = tpu.sort %select_n3A_1603, %select_n3A_1604 masked %masked_sort3A_1605 : (vector<16xf32>, vector<16xi32>, vector<16xi1>) -> (vector<16xi1>, vector<16xf32>, vector<16xi32>)
    %rev3A_1609 = arith.constant 15 : i32
    %rev3A_1610 = vector.broadcast %rev3A_1609 : i32 to vector<16xi32>
    %rev3A_1611 = tpu.iota {dimensions = array<i32: 0>} : vector<16xi32>
    %rev3A_1612 = arith.subi %rev3A_1610, %rev3A_1611 : vector<16xi32>
    %rev3A_1613 = tpu.dynamic_gather %masked_sort3A_1590[%rev3A_1612] in [0] : vector<16xf32>, vector<16xi32> -> vector<16xf32>
    %rev3A_1614 = arith.constant 15 : i32
    %rev3A_1615 = vector.broadcast %rev3A_1614 : i32 to vector<16xi32>
    %rev3A_1616 = tpu.iota {dimensions = array<i32: 0>} : vector<16xi32>
    %rev3A_1617 = arith.subi %rev3A_1615, %rev3A_1616 : vector<16xi32>
    %rev3A_1618 = tpu.dynamic_gather %masked_sort3A_1591[%rev3A_1617] in [0] : vector<16xi32>, vector<16xi32> -> vector<16xi32>
    %le3A_1619 = arith.cmpf ole, %masked_sort3A_1573, %rev3A_1613 : vector<16xf32>
    %select_n3A_1620 = arith.select %le3A_1619, %masked_sort3A_1573, %rev3A_1613 : vector<16xi1>, vector<16xf32>
    %select_n3A_1621 = arith.select %le3A_1619, %masked_sort3A_1574, %rev3A_1618 : vector<16xi1>, vector<16xi32>
    %masked_sort3A_1622 = arith.constant dense<true> : vector<16xi1>
    %masked_sort3A_1623, %masked_sort3A_1624, %masked_sort3A_1625 = tpu.sort %select_n3A_1620, %select_n3A_1621 masked %masked_sort3A_1622 : (vector<16xf32>, vector<16xi32>, vector<16xi1>) -> (vector<16xi1>, vector<16xf32>, vector<16xi32>)
    %rev3A_1626 = arith.constant 15 : i32
    %rev3A_1627 = vector.broadcast %rev3A_1626 : i32 to vector<16xi32>
    %rev3A_1628 = tpu.iota {dimensions = array<i32: 0>} : vector<16xi32>
    %rev3A_1629 = arith.subi %rev3A_1627, %rev3A_1628 : vector<16xi32>
    %rev3A_1630 = tpu.dynamic_gather %masked_sort3A_1624[%rev3A_1629] in [0] : vector<16xf32>, vector<16xi32> -> vector<16xf32>
    %rev3A_1631 = arith.constant 15 : i32
    %rev3A_1632 = vector.broadcast %rev3A_1631 : i32 to vector<16xi32>
    %rev3A_1633 = tpu.iota {dimensions = array<i32: 0>} : vector<16xi32>
    %rev3A_1634 = arith.subi %rev3A_1632, %rev3A_1633 : vector<16xi32>
    %rev3A_1635 = tpu.dynamic_gather %masked_sort3A_1625[%rev3A_1634] in [0] : vector<16xi32>, vector<16xi32> -> vector<16xi32>
    %le3A_1636 = arith.cmpf ole, %masked_sort3A_1607, %rev3A_1630 : vector<16xf32>
    %select_n3A_1637 = arith.select %le3A_1636, %masked_sort3A_1607, %rev3A_1630 : vector<16xi1>, vector<16xf32>
    %select_n3A_1638 = arith.select %le3A_1636, %masked_sort3A_1608, %rev3A_1635 : vector<16xi1>, vector<16xi32>
    %masked_sort3A_1639 = arith.constant dense<true> : vector<16xi1>
    %masked_sort3A_1640, %masked_sort3A_1641, %masked_sort3A_1642 = tpu.sort %select_n3A_1637, %select_n3A_1638 masked %masked_sort3A_1639 : (vector<16xf32>, vector<16xi32>, vector<16xi1>) -> (vector<16xi1>, vector<16xf32>, vector<16xi32>)
    %gather3A = tpu.vector_load_idx %arg6[%masked_sort3A_1642] : memref<1024xi32, #tpu.memory_space<vmem>>[vector<16xi32>], vector<16xi32>,
    %lt3A = arith.constant 8 : i32
    %lt3A_1643 = vector.broadcast %lt3A : i32 to vector<16xi32>
    %lt3A_1644 = arith.cmpi slt, %iota3A, %lt3A_1643 : vector<16xi32>
    %jit3A = arith.constant 0 : i32
    %broadcast_in_dim3A = vector.broadcast %jit3A : i32 to vector<16xi32>
    %select_n3A_1645 = arith.select %lt3A_1644, %gather3A, %broadcast_in_dim3A : vector<16xi1>, vector<16xi32>
    %reduce_sum3A = arith.constant true
    %reduce_sum3A_1646 = vector.broadcast %reduce_sum3A : i1 to vector<16xi1>
    %reduce_sum3A_1647 = tpu.scan <sum>, %select_n3A_1645 masked %reduce_sum3A_1646 : vector<16xi32>, vector<16xi1> -> vector<16xi32>
    %reduce_sum3A_1648 = vector.extract %reduce_sum3A_1647[15] : i32 from vector<16xi32>
    %ge3A = arith.constant 5 : i32
    %ge3A_1649 = arith.cmpi sge, %reduce_sum3A_1648, %ge3A : i32
    %jit3A_1650 = arith.constant 1 : i32
    %jit3A_1651 = arith.constant 0 : i32
    %select_n3A_1652 = arith.select %ge3A_1649, %jit3A_1650, %jit3A_1651 : i32
    %broadcast_in_dim3A_1653 = vector.broadcast %select_n3A_1652 : i32 to vector<16xi32>
    %swap3A = arith.constant 0 : index
    %swap3A_1654 = tpu.vector_load %arg7[%swap3A] {strides = array<i32>} : memref<16xi32, #tpu.memory_space<vmem>>, vector<16xi32>,
    tpu.vector_store %arg7[%swap3A], %broadcast_in_dim3A_1653 {strides = array<i32>} : memref<16xi32, #tpu.memory_space<vmem>>, vector<16xi32>,
    "tpu.region"() ({
      %run_scoped3A = tpu.sem_alloc : memref<!tpu.dma_semaphore, #tpu.memory_space<semaphore_mem>>
      %dma_start3A = arith.constant 0 : i32
      %dma_start3A_1655 = tpu.memref_slice %arg4[%add3A, %dma_start3A] : memref<32x16xi32, #tpu.memory_space<hbm>> -> memref<1x16xi32, #tpu.memory_space<hbm>>
      %dma_start3A_1656 = tpu.memref_squeeze %dma_start3A_1655 : memref<1x16xi32, #tpu.memory_space<hbm>> -> memref<16xi32, #tpu.memory_space<hbm>>
      %dma_start3A_1657 = arith.constant 0 : i32
      %dma_start3A_1658 = tpu.memref_slice %arg4[%add3A, %dma_start3A_1657] : memref<32x16xi32, #tpu.memory_space<hbm>> -> memref<1x16xi32, #tpu.memory_space<hbm>>
      %dma_start3A_1659 = tpu.memref_squeeze %dma_start3A_1658 : memref<1x16xi32, #tpu.memory_space<hbm>> -> memref<16xi32, #tpu.memory_space<hbm>>
      tpu.enqueue_dma source(%arg7 : memref<16xi32, #tpu.memory_space<vmem>>) target(%dma_start3A_1659 : memref<16xi32, #tpu.memory_space<hbm>>) target_semaphore(%run_scoped3A : memref<!tpu.dma_semaphore, #tpu.memory_space<semaphore_mem>>)
      %dma_wait3A = arith.constant 0 : i32
      %dma_wait3A_1660 = tpu.memref_slice %arg4[%add3A, %dma_wait3A] : memref<32x16xi32, #tpu.memory_space<hbm>> -> memref<1x16xi32, #tpu.memory_space<hbm>>
      %dma_wait3A_1661 = tpu.memref_squeeze %dma_wait3A_1660 : memref<1x16xi32, #tpu.memory_space<hbm>> -> memref<16xi32, #tpu.memory_space<hbm>>
      %dma_wait3A_1662 = arith.constant 0 : i32
      %dma_wait3A_1663 = tpu.memref_slice %arg4[%add3A, %dma_wait3A_1662] : memref<32x16xi32, #tpu.memory_space<hbm>> -> memref<1x16xi32, #tpu.memory_space<hbm>>
      %dma_wait3A_1664 = tpu.memref_squeeze %dma_wait3A_1663 : memref<1x16xi32, #tpu.memory_space<hbm>> -> memref<16xi32, #tpu.memory_space<hbm>>
      tpu.wait_dma2 semaphore(%run_scoped3A : memref<!tpu.dma_semaphore, #tpu.memory_space<semaphore_mem>>) src(%arg7 : memref<16xi32, #tpu.memory_space<vmem>>) dst(%dma_wait3A_1664 : memref<16xi32, #tpu.memory_space<hbm>>)
      tpu.yield
    }) : () -> ()
    return
  }
}

module attributes {stable_mosaic.version = 14 : i64} {
  func.func @_tc_body(%arg0: i32, %arg1: memref<32x2048xf32, #tpu.memory_space<vmem>>, %arg2: memref<256x2048xf32, #tpu.memory_space<vmem>>, %arg3: memref<32x256xf32, #tpu.memory_space<vmem>>, %arg4: memref<32x2048xf32, #tpu.memory_space<vmem>>) attributes {dimension_semantics = [#tpu.dimension_semantics<arbitrary>], iteration_bounds = array<i64: 4>, scalar_prefetch = 0 : i64, scratch_operands = 1 : i64, tpu.core_type = #tpu.core_type<tc>, window_params = [{pipeline_mode = #tpu.pipeline_mode<synchronous>, transform_indices = @transform_0, window_bounds = array<i64: 32, 2048>}, {transform_indices = @transform_1, window_bounds = array<i64: 256, 2048>}, {transform_indices = @transform_2, window_bounds = array<i64: 32, 256>}]} {
    %eq3A = arith.constant 0 : i32
    %eq3A_0 = arith.cmpi eq, %arg0, %eq3A : i32
    %convert_element_type3A = arith.extui %eq3A_0 : i1 to i32
    %cond3A = arith.constant 0 : i32
    %cond3A_1 = arith.cmpi ne, %convert_element_type3A, %cond3A : i32
    scf.if %cond3A_1 {
      %get3A_14 = arith.constant 0 : index
      %get3A_15 = arith.constant 0 : index
      %get3A_16 = vector.load %arg1[%get3A_14, %get3A_15] : memref<32x2048xf32, #tpu.memory_space<vmem>>, vector<32x2048xf32>
      %log3A_17 = math.log %get3A_16 : vector<32x2048xf32>
      %swap3A_18 = arith.constant 0 : index
      %swap3A_19 = arith.constant 0 : index
      %swap3A_20 = vector.load %arg4[%swap3A_18, %swap3A_19] : memref<32x2048xf32, #tpu.memory_space<vmem>>, vector<32x2048xf32>
      tpu.vector_store %arg4[%swap3A_18, %swap3A_19], %log3A_17 {strides = array<i32>} : memref<32x2048xf32, #tpu.memory_space<vmem>>, vector<32x2048xf32>,
    } else {
    }
    %get3A = arith.constant 0 : index
    %get3A_2 = arith.constant 0 : index
    %get3A_3 = vector.load %arg2[%get3A, %get3A_2] : memref<256x2048xf32, #tpu.memory_space<vmem>>, vector<256x2048xf32>
    %log3A = math.log %get3A_3 : vector<256x2048xf32>
    %mul3A = arith.mulf %get3A_3, %log3A : vector<256x2048xf32>
    %reduce_sum3A = arith.constant dense<0.000000e+00> : vector<256xf32>
    %reduce_sum3A_4 = vector.multi_reduction <add>, %mul3A, %reduce_sum3A [1] : vector<256x2048xf32> to vector<256xf32>
    %broadcast_in_dim3A = vector.shape_cast %reduce_sum3A_4 : vector<256xf32> to vector<256x1xf32>
    %get3A_5 = arith.constant 0 : index
    %get3A_6 = arith.constant 0 : index
    %get3A_7 = vector.load %arg4[%get3A_5, %get3A_6] : memref<32x2048xf32, #tpu.memory_space<vmem>>, vector<32x2048xf32>
    %dot_general3A = arith.constant dense<0.000000e+00> : vector<256x32xf32>
    %dot_general3A_8 = tpu.matmul %get3A_3, %get3A_7, %dot_general3A {dimension_numbers = #tpu.dot_dimension_numbers<[1], [1], [0], [0], [0, 0, 1, 0], [], []>, transpose_lhs_hint = false} : vector<256x2048xf32>, vector<32x2048xf32>, vector<256x32xf32> -> vector<256x32xf32>
    %sub3A = vector.broadcast %broadcast_in_dim3A : vector<256x1xf32> to vector<256x32xf32>
    %sub3A_9 = arith.subf %sub3A, %dot_general3A_8 : vector<256x32xf32>
    %div3A = arith.constant 2.048000e+03 : f32
    %div3A_10 = vector.broadcast %div3A : f32 to vector<256x32xf32>
    %div3A_11 = arith.divf %sub3A_9, %div3A_10 : vector<256x32xf32>
    %transpose3A = tpu.transpose %div3A_11, [1, 0] : vector<256x32xf32> -> vector<32x256xf32>
    %swap3A = arith.constant 0 : index
    %swap3A_12 = arith.constant 0 : index
    %swap3A_13 = vector.load %arg3[%swap3A, %swap3A_12] : memref<32x256xf32, #tpu.memory_space<vmem>>, vector<32x256xf32>
    tpu.vector_store %arg3[%swap3A, %swap3A_12], %transpose3A {strides = array<i32>} : memref<32x256xf32, #tpu.memory_space<vmem>>, vector<32x256xf32>,
    return
  }
  func.func @transform_0(%arg0: i32) -> (i32, i32) {
    %c0_i32 = arith.constant 0 : i32
    %c0_i32_0 = arith.constant 0 : i32
    %c0_i32_1 = arith.constant 0 : i32
    return %c0_i32, %c0_i32_0 : i32, i32
  }
  func.func @transform_1(%arg0: i32) -> (i32, i32) {
    %c0_i32 = arith.constant 0 : i32
    %c0_i32_0 = arith.constant 0 : i32
    return %arg0, %c0_i32 : i32, i32
  }
  func.func @transform_2(%arg0: i32) -> (i32, i32) {
    %c0_i32 = arith.constant 0 : i32
    %c0_i32_0 = arith.constant 0 : i32
    return %c0_i32, %arg0 : i32, i32
  }
}

</mosaic_0001>

<sc_bundles>
// kernel: kernel.4.cloned.1.call-start
scs
__scs_entry_jumppad:
0x0: {  	(pc) =	sbr.rel $0x88, $3  }
0x1: {  	(tag) =	ssettag $0x0;
	lr =	simm.s32 $0x1  }
0x2: {  	[smem:$0x3F9E] =	sst lr;
	_ =	strace $0xD0000000  }
0x3: {  	_ = 	snop  }
0x4: {  	_ = 	snop  }
0x5: {  	_ = 	snop  }
0x6: {  	_ = 	snop  }
0x7: {  	_ = 	snop  }
__scs_overlays_trampoline_lowered:
0x8: {  	[smem:$0x3FAD] =	sst s0  }
0x9: {  	[smem:$0x3FAE] =	sst s1  }
0xa: {  	[smem:$0x3FAF] =	sst s2  }
0xb: {  	[smem:$0x3FB0] =	sst s3  }
0xc: {  	[smem:$0x3FB1] =	sst s4  }
0xd: {  	[smem:$0x3FB2] =	sst s5  }
0xe: {  	[smem:$0x3FB3] =	sst s6  }
0xf: {  	[smem:$0x3FB4] =	sst s7  }
0x10: {  	[smem:$0x3FB5] =	sst s8  }
0x11: {  	[smem:$0x3FB6] =	sst s9;
	s0 =	simm.s32 @!p0 $0x0  }
0x12: {  	s1 =	sld [smem:$0x3F9C];
	s0 =	simm.s32 @p0 $0x1  }
0x13: {  	[smem:$0x3FB7] =	sst s0;
	s0 =	simm.s32 @!p1 $0x0  }
0x14: {  	s2 =	sld [smem:$0x3F9B];
	s0 =	simm.s32 @p1 $0x1  }
0x15: {  	[smem:$0x3FB8] =	sst s0;
	s0 =	simm.s32 @!p2 $0x0  }
0x16: {  	s3 =	sld [smem:$0x3FDB];
	s0 =	simm.s32 @p2 $0x1  }
0x17: {  	s4 =	simm.s32 $0x1BF5;
	[smem:$0x3FBA] =	sst s0  }
0x18: {  	s0 =	sld [smem:$0x3F9D];
	_ =	swait.ge [sflag:s4], $0x0  }
0x19: {  	s7 =	sld [smem:$0x3F9E]  }
0x1a: {  	s8 =	sadd.s32 $0xFFFFE003, lr  }
0x1b: {  	s9 =	sadd.s32 $0xFFFFFEF7, lr;
	s5 =	simm.s32 $0xFFFFFFFF;
	p2 =	slt.u32 s8, $0xFFFFF086  }
0x1c: {  	p1 =	slt.u32 s9, $0xF7A;
	s5 =	simm.s32 @!p2 $0x0  }
0x1d: {  	s5 =	simm.s32 @p1 $0x1;
	p0 =	seq.s32 s7, s2  }
0x1e: {  	s7 =	smul.u32 @!p0 $0xF7A, s2;
	p2 =	seq.s32 @!p0 s5, $0x0  }
0x1f: {  	s9 =	smul.u32 $0xF7A, s1;
	s8 =	simm.s32 @!p0 $0x1BF5;
	p2 =	por !p2, p0  }
0x20: {  	[sflag:s8] =	ssyncset.s32 @!p0 $0xFFFFF086;
	s6 =	sadd.s32 @!p0 s3, s7;
	s7 =	simm.s32 @!p0 $0x108  }
0x21: {  	s3 =	sadd.s32 s3, s9;
	s6 =	sadd.s32 @!p0 $0x88, s6;
	s7 =	simm.s32 @p2 $0x1082  }
0x22: {  	[simem:s7], [sflag:s8] =	dma.local @!p0 [hbm:s6], $0xF7A  }
0x23: {  	s9 =	sor.u32 $0xD0000000, s2;
	s6 =	simm.s32 $0x108;
	_ =	swait.ge @!p0 [sflag:s8], $0x0  }
0x24: {  	s3 =	sadd.s32 $0x88, s3;
	s6 =	simm.s32 @!p1 $0x1082;
	[sflag:s4] =	ssyncset.s32 $0xFFFFF086  }
0x25: {  	[simem:s6], [sflag:s4] =	dma.local [hbm:s3], $0xF7A  }
0x26: {  	[smem:$0x3F9E] =	sst s1;
	(tag) =	ssettag s2;
	_ =	strace s9  }
0x27: {  	s1 =	sld [smem:$0x3FAE]  }
0x28: {  	s2 =	sld [smem:$0x3FAF]  }
0x29: {  	s4 =	sld [smem:$0x3FB1]  }
0x2a: {  	p0 =	seq.s32 s5, $0x0;
	s5 =	sld [smem:$0x3FB2]  }
0x2b: {  	s6 =	sld [smem:$0x3FB3]  }
0x2c: {  	s7 =	sld [smem:$0x3FB4]  }
0x2d: {  	s3 =	simm.s32 $0x108;
	s8 =	sld [smem:$0x3FB5]  }
0x2e: {  	s3 =	simm.s32 @!p0 $0x1082;
	s9 =	sld [smem:$0x3FB6]  }
0x2f: {  	lr =	sadd.s32 s0, s3;
	s0 =	sld [smem:$0x3FAD]  }
0x30: {  	s3 =	sld [smem:$0x3FB0]  }
0x31: {  	[smem:$0x3FB9] =	sst s10  }
0x32: {  	s10 =	sld [smem:$0x3FB7];
	_ =	sdelay $0x3  }
0x33: {  	p0 =	seq.s32 s10, $0x1;
	s10 =	sld [smem:$0x3FB9];
	_ =	sdelay $0x3  }
0x34: {  	[smem:$0x3FB9] =	sst s10  }
0x35: {  	s10 =	sld [smem:$0x3FB8];
	_ =	sdelay $0x3  }
0x36: {  	p1 =	seq.s32 s10, $0x1;
	s10 =	sld [smem:$0x3FB9];
	_ =	sdelay $0x3  }
0x37: {  	[smem:$0x3FB9] =	sst s10  }
0x38: {  	s10 =	sld [smem:$0x3FBA]  }
0x39: {  	_ = 	snop;
	(pc) =	sbr.ind lr, $3  }
0x3a: {  	_ = 	snop  }
0x3b: {  	_ = 	snop  }
0x3c: {  	p2 =	seq.s32 s10, $0x1;
	s10 =	sld [smem:$0x3FB9]  }
0x3d: {  	_ =	shalt  }
0x3e: {  	_ =	shalt  }
0x3f: {  	_ =	shalt  }
0x40: {  	_ =	shalt  }
0x41: {  	_ =	shalt  }
0x42: {  	_ =	shalt  }
0x43: {  	_ =	shalt  }
0x44: {  	_ =	shalt  }
0x45: {  	_ =	shalt  }
0x46: {  	_ =	shalt  }
0x47: {  	_ =	shalt  }
0x48: {  	_ =	shalt  }
0x49: {  	_ =	shalt  }
0x4a: {  	_ =	shalt  }
0x4b: {  	_ =	shalt  }
0x4c: {  	_ =	shalt  }
0x4d: {  	_ =	shalt  }
0x4e: {  	_ =	shalt  }
0x4f: {  	_ =	shalt  }
0x50: {  	_ =	shalt  }
0x51: {  	_ =	shalt  }
0x52: {  	_ =	shalt  }
0x53: {  	_ =	shalt  }
0x54: {  	_ =	shalt  }
0x55: {  	_ =	shalt  }
0x56: {  	_ =	shalt  }
0x57: {  	_ =	shalt  }
0x58: {  	_ =	shalt  }
0x59: {  	_ =	shalt  }
0x5a: {  	_ =	shalt  }
0x5b: {  	_ =	shalt  }
0x5c: {  	_ =	shalt  }
0x5d: {  	_ =	shalt  }
0x5e: {  	_ =	shalt  }
0x5f: {  	_ =	shalt  }
0x60: {  	_ =	shalt  }
0x61: {  	_ =	shalt  }
0x62: {  	_ =	shalt  }
0x63: {  	_ =	shalt  }
0x64: {  	_ =	shalt  }
0x65: {  	_ =	shalt  }
0x66: {  	_ =	shalt  }
0x67: {  	_ =	shalt  }
0x68: {  	_ =	shalt  }
0x69: {  	_ =	shalt  }
0x6a: {  	_ =	shalt  }
0x6b: {  	_ =	shalt  }
0x6c: {  	_ =	shalt  }
0x6d: {  	_ =	shalt  }
0x6e: {  	_ =	shalt  }
0x6f: {  	_ =	shalt  }
0x70: {  	_ =	shalt  }
0x71: {  	_ =	shalt  }
0x72: {  	_ =	shalt  }
0x73: {  	_ =	shalt  }
0x74: {  	_ =	shalt  }
0x75: {  	_ =	shalt  }
0x76: {  	_ =	shalt  }
0x77: {  	_ =	shalt  }
0x78: {  	_ =	shalt  }
0x79: {  	_ =	shalt  }
0x7a: {  	_ =	shalt  }
0x7b: {  	_ =	shalt  }
0x7c: {  	_ =	shalt  }
0x7d: {  	_ =	shalt  }
0x7e: {  	_ =	shalt  }
0x7f: {  	_ =	shalt  }
0x80: {  	_ =	shalt  }
0x81: {  	_ =	shalt  }
0x82: {  	_ =	shalt  }
0x83: {  	_ =	shalt  }
0x84: {  	_ =	shalt  }
0x85: {  	_ =	shalt  }
0x86: {  	_ =	shalt  }
0x87: {  	_ =	shalt  }
.Lfunc_end0:
.L_simem_size_0:
called_computation_lowered:
.L_overlay_start_0:
0x88: {  	s2 =	sld [smem:$0x3FD9]  }
0x89: {  	s3 =	sld [smem:$0x3FFE];
	_ =	sdelay $0x1  }
0x8a: {  	s1 =	srdreg.scid  }
0x8b: {  	s0 =	sand.u32 $0x1, s1  }
0x8c: {  	s17 =	sshll.u32 s0, $0xA;
	s2 =	sadd.s32 s3, s2  }
0x8d: {  	s2 =	sadd.s32 s2, s17  }
0x8e: {  	[smem:$0x3FC5] =	sst s2  }
0x8f: {  	_ = 	snop  }
0x90: {  	s2 =	sld [smem:$0x3FC7];
	(tm) =	ssettm $0x1  }
0x91: {  	s18 =	sld [smem:$0x3FFB];
	_ =	sdelay $0x3  }
0x92: {  	_ =	strace s18  }
0x93: {  	s3 =	sld [smem:$0x3FFC];
	_ =	sdelay $0x3  }
0x94: {  	_ =	strace s3  }
0x95: {  	s3 =	sld [smem:$0x3FFD];
	_ =	sdelay $0x3  }
0x96: {  	_ =	strace s3  }
0x97: {  	_ =	strace $0x8FFFFFFF  }
0x98: {  	s19 =	sld [smem:$0x3FDB];
	_ =	sdelay $0x1  }
0x99: {  	s4 =	simm.s32 $_scs_section_size  }
0x9a: {  	s5 =	simm.s32 $_size__tile_overlayer_lowered;
	s6 =	simm.s32 $_tile_overlayer_lowered  }
0x9b: {  	s22 =	simm.s32 $0x1BFF;
	s21 =	sshll.u32 s6, $0x1;
	s3 =	sadd.s32 s4, s19  }
0x9c: {  	s7 =	simm.s32 $0x0;
	s20 =	sshll.u32 s5, $0x1;
	s5 =	sadd.s32 s21, s3  }
0x9d: {  	[timem:s7], [sflag:s22] =	dma.local [hbm:s5], s20  }
0x9e: {  	_ =	swait.ge [sflag:s22], s20  }
0x9f: {  	s4 =	ssub.s32 $0x0, s20;
	[sflag:s22] =	ssyncset.done $0x0  }
0xa0: {  	[sflag:s22] =	ssyncadd.s32 s4;
	_ =	sdelay $0x1  }
0xa1: {  	s23 =	simm.s32 $0x1B8B  }
0xa2: {  	_ =	swait.ge [sflag:s23], $0x1  }
0xa3: {  	[sflag:s23] =	ssyncset.done $0x0  }
0xa4: {  	s25 =	simm.s32 $0x1B8E;
	s24 =	sld [smem:$0x3FFE];
	[sflag:s23] =	ssyncadd.s32 $0xFFFFFFFF  }
0xa5: {  	s26 =	simm.s32 $execute0_lowered;
	[smem:$0x3FD2] =	sst s25  }
0xa6: {  	s5 =	sshll.u32 s26, $0x1;
	_ =	strace $0x80000046;
	[dreg:$0x1] =	wrdreg $0xFFFFFFFF  }
0xa7: {  	s28 =	simm.s32 $_size_execute0_lowered;
	s3 =	sadd.s32 s3, s5;
	[dreg:$0x0] =	wrdreg $0x0  }
0xa8: {  	s5 =	sshll.u32 s28, $0x1;
	[dreg:$0x2] =	wrdreg s3  }
0xa9: {  	[dreg:$0x3] =	wrdreg s5  }
0xaa: {  	[dreg:$0x4] =	wrdreg $0xC0  }
0xab: {  	_ =	task [dreg:s7], $0x5FFFF  }
0xac: {  	[dreg:$0x1] =	wrdreg $0xFFFFFFFF  }
0xad: {  	[dreg:$0x0] =	wrdreg $0x60  }
0xae: {  	[dreg:$0x2] =	wrdreg s24  }
0xaf: {  	[dreg:$0x3] =	wrdreg s2  }
0xb0: {  	[dreg:$0x4] =	wrdreg $0x9  }
0xb1: {  	_ =	task.clear_ibuf [dreg:s7], $0x5FFFF;
	_ =	strace $0x90000046  }
0xb2: {  	s29 =	simm.s32 $0x9;
	_ =	strace $0x80000048  }
0xb3: {  	_ =	swait.ge [sflag:s29], $0x1  }
0xb4: {  	[sflag:s29] =	ssyncadd.s32 $0xFFFFFFFF  }
0xb5: {  	_ =	strace $0x90000048  }
0xb6: {  	_ =	sfence  }
0xb7: {  	s30 =	sld [smem:$0x0];
	_ =	sdelay $0x2  }
0xb8: {  	s31 =	sshll.u32 s1, $0xD;
	s1 =	sshrl.u32 s1, $0x2  }
0xb9: {  	s3 =	sand.u32 $0x4000, s31;
	s1 =	sadd.s32 s1, s30  }
0xba: {  	s0 =	sor.u32 s3, s0;
	s1 =	sshll.u32 s1, $0x11  }
0xbb: {  	s0 =	sor.u32 s1, s0  }
0xbc: {  	s0 =	sadd.s32 $0x8F2B, s0  }
0xbd: {  	[sflag:s0] =	ssyncadd.remote.s32 $0x1  }
0xbe: {  	_ =	sfence.sel $0xFFFF  }
0xbf: {  	[dreg:$0x0] =	wrdreg $0xFFFFFFFF;
	(pc) =	sbr.abs _section_cstart, $3  }
0xc0: {  	[dreg:$0x1] =	wrdreg $0xFFFFFFFF  }
0xc1: {  	_ =	task.clear_ibuf [dreg:s7], $0x2FFFF;
	_ =	strace $0x9FFFFFFF  }
0xc2: {  	(tm) =	ssettm $0x7FFFFFFF  }
0xc3: {  	_ =	shalt  }
tec
execute0_lowered:
.L_overlay_start_1:
0x0: {  	(tag) =	ssettag $0x1  }
0x1: {  	v0 =	vlaneseq.u32  }
0x2: {  	v1 =	vor.u32 $0x10, v0  }
0x3: {  	v63 =	vor.u32 $0x20, v0;
	[tilespmem:$0x1FC10] =	vst v1  }
0x4: {  	v4 =	vor.u32 $0x30, v0;
	[tilespmem:$0x1FC20] =	vst v63  }
0x5: {  	v5 =	vor.u32 $0x40, v0;
	[tilespmem:$0x1FC30] =	vst v4  }
0x6: {  	v6 =	vor.u32 $0x50, v0;
	[tilespmem:$0x1FC40] =	vst v5  }
0x7: {  	v7 =	vor.u32 $0x60, v0;
	[tilespmem:$0x1FC50] =	vst v6  }
0x8: {  	v8 =	vor.u32 $0x70, v0;
	[tilespmem:$0x1FC60] =	vst v7  }
0x9: {  	v9 =	vor.u32 $0x80, v0;
	[tilespmem:$0x1FC70] =	vst v8  }
0xa: {  	v10 =	vor.u32 $0x90, v0;
	[tilespmem:$0x1FC80] =	vst v9  }
0xb: {  	v11 =	vor.u32 $0xA0, v0;
	[tilespmem:$0x1FC90] =	vst v10  }
0xc: {  	v12 =	vor.u32 $0xB0, v0;
	[tilespmem:$0x1FCA0] =	vst v11  }
0xd: {  	v13 =	vor.u32 $0xC0, v0;
	[tilespmem:$0x1FCB0] =	vst v12  }
0xe: {  	v14 =	vor.u32 $0xD0, v0;
	[tilespmem:$0x1FCC0] =	vst v13  }
0xf: {  	v15 =	vor.u32 $0xE0, v0;
	[tilespmem:$0x1FCD0] =	vst v14  }
0x10: {  	v16 =	vor.u32 $0xF0, v0;
	[tilespmem:$0x1FCE0] =	vst v15  }
0x11: {  	v17 =	vor.u32 $0x100, v0;
	[tilespmem:$0x1FCF0] =	vst v16  }
0x12: {  	v18 =	vor.u32 $0x110, v0;
	[tilespmem:$0x1FD00] =	vst v17  }
0x13: {  	v19 =	vor.u32 $0x120, v0;
	[tilespmem:$0x1FD10] =	vst v18  }
0x14: {  	v20 =	vor.u32 $0x130, v0;
	[tilespmem:$0x1FD20] =	vst v19  }
0x15: {  	v21 =	vor.u32 $0x140, v0;
	[tilespmem:$0x1FD30] =	vst v20  }
0x16: {  	v22 =	vor.u32 $0x150, v0;
	[tilespmem:$0x1FD40] =	vst v21  }
0x17: {  	v23 =	vor.u32 $0x160, v0;
	[tilespmem:$0x1FD50] =	vst v22  }
0x18: {  	v24 =	vor.u32 $0x170, v0;
	[tilespmem:$0x1FD60] =	vst v23  }
0x19: {  	v25 =	vor.u32 $0x180, v0;
	[tilespmem:$0x1FD70] =	vst v24  }
0x1a: {  	v26 =	vor.u32 $0x190, v0;
	[tilespmem:$0x1FD80] =	vst v25  }
0x1b: {  	v27 =	vor.u32 $0x1A0, v0;
	[tilespmem:$0x1FD90] =	vst v26  }
0x1c: {  	v28 =	vor.u32 $0x1B0, v0;
	[tilespmem:$0x1FDA0] =	vst v27  }
0x1d: {  	v29 =	vor.u32 $0x1C0, v0;
	[tilespmem:$0x1FDB0] =	vst v28  }
0x1e: {  	v30 =	vor.u32 $0x1D0, v0;
	[tilespmem:$0x1FDC0] =	vst v29  }
0x1f: {  	v31 =	vor.u32 $0x1E0, v0;
	[tilespmem:$0x1FDD0] =	vst v30  }
0x20: {  	v32 =	vor.u32 $0x1F0, v0;
	[tilespmem:$0x1FDE0] =	vst v31  }
0x21: {  	v33 =	vor.u32 $0x200, v0;
	[tilespmem:$0x1FDF0] =	vst v32  }
0x22: {  	v34 =	vor.u32 $0x210, v0;
	[tilespmem:$0x1FE00] =	vst v33  }
0x23: {  	v35 =	vor.u32 $0x220, v0;
	[tilespmem:$0x1FE10] =	vst v34  }
0x24: {  	v36 =	vor.u32 $0x230, v0;
	[tilespmem:$0x1FE20] =	vst v35  }
0x25: {  	v37 =	vor.u32 $0x240, v0;
	[tilespmem:$0x1FE30] =	vst v36  }
0x26: {  	v38 =	vor.u32 $0x250, v0;
	[tilespmem:$0x1FE40] =	vst v37  }
0x27: {  	v39 =	vor.u32 $0x260, v0;
	[tilespmem:$0x1FE50] =	vst v38  }
0x28: {  	v40 =	vor.u32 $0x270, v0;
	[tilespmem:$0x1FE60] =	vst v39  }
0x29: {  	v41 =	vor.u32 $0x280, v0;
	[tilespmem:$0x1FE70] =	vst v40  }
0x2a: {  	v42 =	vor.u32 $0x290, v0;
	[tilespmem:$0x1FE80] =	vst v41  }
0x2b: {  	v43 =	vor.u32 $0x2A0, v0;
	[tilespmem:$0x1FE90] =	vst v42  }
0x2c: {  	v44 =	vor.u32 $0x2B0, v0;
	[tilespmem:$0x1FEA0] =	vst v43  }
0x2d: {  	v45 =	vor.u32 $0x2C0, v0;
	[tilespmem:$0x1FEB0] =	vst v44  }
0x2e: {  	s4 =	rddreg [dreg:$0x0];
	v46 =	vor.u32 $0x2D0, v0;
	[tilespmem:$0x1FEC0] =	vst v45  }
0x2f: {  	s1 =	rddreg [dreg:$0x1];
	s3 =	simm.s32 $0x0;
	v47 =	vor.u32 $0x2E0, v0;
	[tilespmem:$0x1FED0] =	vst v46  }
0x30: {  	[smem:$0x7FF] =	sst s3;
	v48 =	vor.u32 $0x2F0, v0;
	[tilespmem:$0x1FEE0] =	vst v47  }
0x31: {  	s0 =	rddreg [dreg:$0x2];
	v49 =	vor.u32 $0x300, v0;
	_ =	strace $0x80000047;
	[tilespmem:$0x1FEF0] =	vst v48  }
0x32: {  	v50 =	vor.u32 $0x310, v0;
	[tilespmem:$0x1FF00] =	vst v49  }
0x33: {  	v51 =	vor.u32 $0x320, v0;
	[tilespmem:$0x1FF10] =	vst v50  }
0x34: {  	v52 =	vor.u32 $0x330, v0;
	[tilespmem:$0x1FF20] =	vst v51  }
0x35: {  	v53 =	vor.u32 $0x340, v0;
	[tilespmem:$0x1FF30] =	vst v52  }
0x36: {  	v54 =	vor.u32 $0x350, v0;
	[tilespmem:$0x1FF40] =	vst v53  }
0x37: {  	v55 =	vor.u32 $0x360, v0;
	[tilespmem:$0x1FF50] =	vst v54  }
0x38: {  	v56 =	vor.u32 $0x370, v0;
	[tilespmem:$0x1FF60] =	vst v55  }
0x39: {  	s5 =	srdreg.scid;
	s2 =	stileid.u32;
	v57 =	vor.u32 $0x380, v0;
	[tilespmem:$0x1FF70] =	vst v56  }
0x3a: {  	s10 =	simm.s32 $0x800;
	s5 =	sand.u32 $0x1, s5;
	s6 =	sshll.u32 s2, $0x8;
	v58 =	vor.u32 $0x390, v0;
	[tilespmem:$0x1FF80] =	vst v57  }
0x3b: {  	s7 =	sshrl.u32 s2, $0x2;
	v59 =	vor.u32 $0x3A0, v0;
	s8 =	sshll.u32 s5, $0x7;
	s6 =	sand.u32 $0x300, s6;
	[tilespmem:$0x1FF90] =	vst v58  }
0x3c: {  	v60 =	vor.u32 $0x3B0, v0;
	s9 =	sshll.u32 s7, $0xD;
	s5 =	ssub.s32 $0x2, s5;
	s6 =	sor.u32 s8, s6;
	[tilespmem:$0x1FFA0] =	vst v59  }
0x3d: {  	v61 =	vor.u32 $0x3C0, v0;
	s7 =	sshll.u32 s7, $0xA;
	s31 =	sshrl.u32 s5, $0x1;
	[tilespmem:$0x1FFB0] =	vst v60;
	s8 =	sor.u32 s9, s6  }
0x3e: {  	v62 =	vor.u32 $0x3D0, v0;
	[tilespmem:$0x1FFC0] =	vst v61;
	s6 =	sor.u32 s7, s6;
	s7 =	simm.s32 $0x80;
	s8 =	sshrl.u32 s8, $0x3  }
0x3f: {  	v63 =	vor.u32 $0x3E0, v0;
	[tilespmem:$0x1FFD0] =	vst v62;
	s9 =	simm.s32 $0x1;
	s6 =	sshrl.u32 s6, $0x3;
	s30 =	sadd.s32 s8, s4  }
0x40: {  	v0 =	vor.u32 $0x3F0, v0;
	[tilespmem:$0x1FFE0] =	vst v63;
	s6 =	sadd.s32 s6, s4;
	s8 =	ssub.s32 s5, s31;
	s4 =	sadd.s32 $0x600, s30  }
0x41: {  	vm0 =	vmmov $0xff;
	[tilespmem:$0x1FFF0] =	vst v0;
	s5 =	sadd.s32 $0x1600, s6;
	s6 =	smax.u32 s8, $0x1;
	s8 =	simm.s32 $0x400  }
.LBB2_1:
0x42: {  	[tilespmem:s3], [sflag:$0x1] =	stream.strided.gather [hbm4b:s4+s7], $0x400, s8, s7, $0x38;
	[tilespmem:$0x880] =	vst v63  }
0x43: {  	_ =	swait.ge [sflag:s9], $0x400  }
0x44: {  	[sflag:s9] =	ssyncset.done $0x0  }
0x45: {  	[sflag:s9] =	ssyncadd.s32 $0xFFFFFC00  }
0x46: {  	[tilespmem:s8], [sflag:$0x1] =	stream.linear.gather [hbm4b:s1+s3], $0x400, $0x38;
	[tilespmem:$0x880] =	vst v63  }
0x47: {  	_ =	swait.ge [sflag:s9], $0x400  }
0x48: {  	v38 =	vld [tilespmem:$0x1FC10]  }
0x49: {  	v40 =	vld [tilespmem:$0x1FC20]  }
0x4a: {  	v42 =	vld [tilespmem:$0x1FC30]  }
0x4b: {  	v44 =	vld [tilespmem:$0x1FC40]  }
0x4c: {  	v46 =	vld [tilespmem:$0x1FC50]  }
0x4d: {  	v48 =	vld [tilespmem:$0x1FC60]  }
0x4e: {  	v50 =	vld [tilespmem:$0x1FC70]  }
0x4f: {  	v52 =	vld [tilespmem:$0x1FC80]  }
0x50: {  	v54 =	vld [tilespmem:$0x1FC90]  }
0x51: {  	v56 =	vld [tilespmem:$0x1FCA0]  }
0x52: {  	v58 =	vld [tilespmem:$0x1FCB0]  }
0x53: {  	v60 =	vld [tilespmem:$0x1FCC0]  }
0x54: {  	v62 =	vld [tilespmem:$0x1FCD0]  }
0x55: {  	v15 =	vld [tilespmem:$0x1FCE0]  }
0x56: {  	v16 =	vld [tilespmem:$0x1FCF0]  }
0x57: {  	v17 =	vld [tilespmem:$0x1FD00]  }
0x58: {  	v23 =	vld [tilespmem:$0x1FD10]  }
0x59: {  	v24 =	vld [tilespmem:$0x1FD20]  }
0x5a: {  	v26 =	vld [tilespmem:$0x1FD30]  }
0x5b: {  	[sflag:s9] =	ssyncset.done $0x0;
	v27 =	vld [tilespmem:$0x1FD40]  }
0x5c: {  	v34 =	vld [tilespmem:$0x1FDB0];
	[sflag:s9] =	ssyncadd.s32 $0xFFFFFC00  }
0x5d: {  	v0 =	vld [tilespmem:$0x0]  }
0x5e: {  	v1 =	vld [tilespmem:$0x10]  }
0x5f: {  	v2 =	vld [tilespmem:$0x20]  }
0x60: {  	v3 =	vld [tilespmem:$0x30]  }
0x61: {  	v4 =	vld [tilespmem:$0x40]  }
0x62: {  	v37 =	vld [tilespmem:$0x50]  }
0x63: {  	v39 =	vld [tilespmem:$0x60]  }
0x64: {  	v41 =	vld [tilespmem:$0x70]  }
0x65: {  	v43 =	vld [tilespmem:$0x80]  }
0x66: {  	v45 =	vld [tilespmem:$0x90]  }
0x67: {  	v47 =	vld [tilespmem:$0xA0]  }
0x68: {  	v49 =	vld [tilespmem:$0xB0]  }
0x69: {  	v51 =	vld [tilespmem:$0xC0]  }
0x6a: {  	v53 =	vld [tilespmem:$0xD0]  }
0x6b: {  	v5 =	vlaneseq.u32;
	v55 =	vld [tilespmem:$0xE0]  }
0x6c: {  	v57 =	vld [tilespmem:$0xF0];
	(xrf1) =	vsort.ascd.msk.f32 $0xffff, v0, v5  }
0x6d: {  	v59 =	vld [tilespmem:$0x100];
	(xrf1) =	vsort.ascd.msk.f32 $0xffff, v1, v38  }
0x6e: {  	v61 =	vld [tilespmem:$0x110];
	(xrf1) =	vsort.ascd.msk.f32 $0xffff, v2, v40  }
0x6f: {  	v63 =	vld [tilespmem:$0x120];
	(xrf1) =	vsort.ascd.msk.f32 $0xffff, v3, v42  }
0x70: {  	v6 =	vld [tilespmem:$0x130];
	(xrf1) =	vsort.ascd.msk.f32 $0xffff, v4, v44  }
0x71: {  	v7 =	vld [tilespmem:$0x140];
	(xrf1) =	vsort.ascd.msk.f32 $0xffff, v37, v46  }
0x72: {  	v19 =	vld [tilespmem:$0x150];
	(xrf1) =	vsort.ascd.msk.f32 $0xffff, v39, v48  }
0x73: {  	v8 =	vld [tilespmem:$0x160];
	(xrf1) =	vsort.ascd.msk.f32 $0xffff, v41, v50  }
0x74: {  	v9 =	vld [tilespmem:$0x170];
	(xrf1) =	vsort.ascd.msk.f32 $0xffff, v43, v52  }
0x75: {  	v11 =	vld [tilespmem:$0x180];
	(xrf1) =	vsort.ascd.msk.f32 $0xffff, v45, v54  }
0x76: {  	v29 =	vld [tilespmem:$0x190];
	(xrf1) =	vsort.ascd.msk.f32 $0xffff, v47, v56  }
0x77: {  	v13 =	vld [tilespmem:$0x1C0];
	(xrf1) =	vsort.ascd.msk.f32 $0xffff, v49, v58  }
0x78: {  	v30 =	vld [tilespmem:$0x1F0];
	(xrf1) =	vsort.ascd.msk.f32 $0xffff, v51, v60  }
0x79: {  	v35 =	vld [tilespmem:$0x200];
	(xrf1) =	vsort.ascd.msk.f32 $0xffff, v53, v62  }
0x7a: {  	v22 =	vld [tilespmem:$0x220];
	(xrf1) =	vsort.ascd.msk.f32 $0xffff, v55, v15  }
0x7b: {  	v5 =	vld [tilespmem:$0x1FE30];
	v18, v48, _ =	vpop (xrf1);
	(xrf1) =	vsort.ascd.msk.f32 $0xffff, v57, v16  }
0x7c: {  	v40 =	vld [tilespmem:$0x1FD50];
	v14, v49, _ =	vpop (xrf1);
	(xrf1) =	vsort.ascd.msk.f32 $0xffff, v59, v17  }
0x7d: {  	v43 =	vld [tilespmem:$0x1FD60];
	v10, v59, _ =	vpop (xrf1);
	(xrf1) =	vsort.ascd.msk.f32 $0xffff, v61, v23  }
0x7e: {  	v46 =	vld [tilespmem:$0x1FD70];
	v12, v21, _ =	vpop (xrf1);
	(xrf1) =	vsort.ascd.msk.f32 $0xffff, v63, v24  }
0x7f: {  	v47 =	vld [tilespmem:$0x1FD80];
	v41, v25, _ =	vpop (xrf1);
	(xrf1) =	vsort.ascd.msk.f32 $0xffff, v6, v26  }
0x80: {  	v62 =	vld [tilespmem:$0x1FD90];
	v15, v28, _ =	vpop (xrf1);
	(xrf1) =	vsort.ascd.msk.f32 $0xffff, v7, v27  }
0x81: {  	v42 =	vld [tilespmem:$0x1A0];
	v6, v39, _ =	vpop (xrf1);
	(xrf1) =	vsort.ascd.msk.f32 $0xffff, v19, v40  }
0x82: {  	v44 =	vld [tilespmem:$0x1B0];
	v16, v37, _ =	vpop (xrf1);
	(xrf1) =	vsort.ascd.msk.f32 $0xffff, v8, v43  }
0x83: {  	v50 =	vld [tilespmem:$0x1D0];
	v61, v45, _ =	vpop (xrf1);
	(xrf1) =	vsort.ascd.msk.f32 $0xffff, v9, v46  }
0x84: {  	v58 =	vld [tilespmem:$0x1FDC0];
	v9, v32, _ =	vpop (xrf1);
	(xrf1) =	vsort.ascd.msk.f32 $0xffff, v11, v47  }
0x85: {  	(xrf1) =	vsort.ascd.msk.f32 $0xffff, v29, v62;
	v29 =	vld [tilespmem:$0x1FDA0]  }
0x86: {  	v55 =	vld [tilespmem:$0x1FDF0]  }
0x87: {  	v63 =	vld [tilespmem:$0x1E0]  }
0x88: {  	v19 =	vld [tilespmem:$0x1FDD0]  }
0x89: {  	v46 =	vld [tilespmem:$0x1FDE0];
	v56, v60, _ =	vpop (xrf1)  }
0x8a: {  	[tilespmem:$0x1F9C0] =	vst v25;
	v25 =	vld [tilespmem:$0x1FE10];
	v20, v33, _ =	vpop (xrf1);
	(xrf1) =	vsort.ascd.msk.f32 $0xffff, v42, v29  }
0x8b: {  	v62 =	vld [tilespmem:$0x1FE00];
	v52, v31, _ =	vpop (xrf1);
	(xrf1) =	vsort.ascd.msk.f32 $0xffff, v44, v34  }
0x8c: {  	[tilespmem:$0x1F9F0] =	vst v60;
	v60 =	vld [tilespmem:$0x210];
	v23, v42, _ =	vpop (xrf1);
	(xrf1) =	vsort.ascd.msk.f32 $0xffff, v13, v58  }
0x8d: {  	v47, v17, _ =	vpop (xrf1);
	v58 =	vld [tilespmem:$0x1FE20];
	(xrf1) =	vsort.ascd.msk.f32 $0xffff, v50, v19  }
0x8e: {  	v27, v38, _ =	vpop (xrf1);
	v50 =	vld [tilespmem:$0x230];
	(xrf1) =	vsort.ascd.msk.f32 $0xffff, v63, v46  }
0x8f: {  	v44, v54, _ =	vpop (xrf1);
	(xrf1) =	vsort.ascd.msk.f32 $0xffff, v30, v55  }
0x90: {  	v57 =	vld [tilespmem:$0x240];
	v29, v53, _ =	vpop (xrf1);
	(xrf1) =	vsort.ascd.msk.f32 $0xffff, v35, v62  }
0x91: {  	[tilespmem:$0x1F9D0] =	vst v39;
	v19 =	vld [tilespmem:$0x1FE40];
	v39, v24, _ =	vpop (xrf1);
	(xrf1) =	vsort.ascd.msk.f32 $0xffff, v60, v25  }
0x92: {  	[tilespmem:$0x1F9E0] =	vst v45;
	v63 =	vld [tilespmem:$0x250];
	v34, v45, _ =	vpop (xrf1);
	(xrf1) =	vsort.ascd.msk.f32 $0xffff, v22, v58  }
0x93: {  	v35, v4, _ =	vpop (xrf1);
	(xrf1) =	vsort.ascd.msk.f32 $0xffff, v50, v5;
	v50 =	vld [tilespmem:$0x1FE50]  }
0x94: {  	v26 =	vld [tilespmem:$0x260]  }
0x95: {  	[tilespmem:$0x1FA10] =	vst v17;
	v17 =	vld [tilespmem:$0x280]  }
0x96: {  	[tilespmem:$0x1FA20] =	vst v54;
	v54 =	vld [tilespmem:$0x1FE60]  }
0x97: {  	v60 =	vld [tilespmem:$0x270];
	v36, v55, _ =	vpop (xrf1);
	(xrf1) =	vsort.ascd.msk.f32 $0xffff, v57, v19  }
0x98: {  	[tilespmem:$0x1FA00] =	vst v31;
	v31, v46, _ =	vpop (xrf1);
	(xrf1) =	vsort.ascd.msk.f32 $0xffff, v63, v50;
	v63 =	vld [tilespmem:$0x1FE70]  }
0x99: {  	[tilespmem:$0x1FA40] =	vst v4;
	v4 =	vld [tilespmem:$0x1FE80];
	_ =	sdelay $0x1  }
0x9a: {  	v51 =	vld [tilespmem:$0x2A0]  }
0x9b: {  	v22 =	vld [tilespmem:$0x290];
	v40, v58, _ =	vpop (xrf1);
	(xrf1) =	vsort.ascd.msk.f32 $0xffff, v26, v54  }
0x9c: {  	v57 =	vld [tilespmem:$0x2B0];
	v30, v62, _ =	vpop (xrf1);
	(xrf1) =	vsort.ascd.msk.f32 $0xffff, v60, v63  }
0x9d: {  	(xrf1) =	vsort.ascd.msk.f32 $0xffff, v17, v4;
	v17 =	vld [tilespmem:$0x1FE90]  }
0x9e: {  	v50 =	vld [tilespmem:$0x1FEA0]  }
0x9f: {  	v54 =	vld [tilespmem:$0x1FEB0]  }
0xa0: {  	v7 =	vld [tilespmem:$0x2D0]  }
0xa1: {  	v8 =	vld [tilespmem:$0x2F0]  }
0xa2: {  	v11 =	vld [tilespmem:$0x2C0];
	[tilespmem:$0x1FA60] =	vst v62;
	v43, v62, _ =	vpop (xrf1);
	(xrf1) =	vsort.ascd.msk.f32 $0xffff, v22, v17  }
0xa3: {  	v13 =	vld [tilespmem:$0x300];
	v25, v5, _ =	vpop (xrf1);
	(xrf1) =	vsort.ascd.msk.f32 $0xffff, v51, v50  }
0xa4: {  	[tilespmem:$0x1FA50] =	vst v46;
	v46, v63, _ =	vpop (xrf1);
	(xrf1) =	vsort.ascd.msk.f32 $0xffff, v57, v54;
	v57 =	vld [tilespmem:$0x1FEC0]  }
0xa5: {  	v19 =	vld [tilespmem:$0x2E0]  }
0xa6: {  	v4 =	vld [tilespmem:$0x1FED0]  }
0xa7: {  	v17 =	vld [tilespmem:$0x1FEE0]  }
0xa8: {  	[tilespmem:$0x1FA30] =	vst v24;
	v24 =	vld [tilespmem:$0x1FEF0]  }
0xa9: {  	v22, v51, _ =	vpop (xrf1);
	(xrf1) =	vsort.ascd.msk.f32 $0xffff, v11, v57;
	v57 =	vld [tilespmem:$0x1FF00];
	_ =	sdelay $0x1  }
0xaa: {  	v50, v60, _ =	vpop (xrf1);
	v11 =	vld [tilespmem:$0x310];
	(xrf1) =	vsort.ascd.msk.f32 $0xffff, v7, v4  }
0xab: {  	[tilespmem:$0x1FA70] =	vst v5;
	v26, v5, _ =	vpop (xrf1);
	v7 =	vld [tilespmem:$0x320];
	(xrf1) =	vsort.ascd.msk.f32 $0xffff, v19, v17  }
0xac: {  	[tilespmem:$0x1FAA0] =	vst v51;
	v4 =	vld [tilespmem:$0x1FF10];
	v51, v19, _ =	vpop (xrf1);
	(xrf1) =	vsort.ascd.msk.f32 $0xffff, v8, v24  }
0xad: {  	[tilespmem:$0x1FA80] =	vst v60;
	v24, v54, _ =	vpop (xrf1);
	(xrf1) =	vsort.ascd.msk.f32 $0xffff, v13, v57;
	v57 =	vld [tilespmem:$0x1FF20]  }
0xae: {  	[tilespmem:$0x1FAB0] =	vst v5  }
0xaf: {  	v1 =	vld [tilespmem:$0x330];
	[tilespmem:$0x1FA90] =	vst v19  }
0xb0: {  	v8 =	vld [tilespmem:$0x340];
	[tilespmem:$0x1FAE0] =	vst v54;
	v54, v60, _ =	vpop (xrf1)  }
0xb1: {  	v13 =	vld [tilespmem:$0x350];
	[tilespmem:$0x1FAC0] =	vst v60;
	v19, v5, _ =	vpop (xrf1);
	(xrf1) =	vsort.ascd.msk.f32 $0xffff, v11, v4  }
0xb2: {  	[tilespmem:$0x1FAF0] =	vst v5;
	v4 =	vld [tilespmem:$0x1FF30];
	(xrf1) =	vsort.ascd.msk.f32 $0xffff, v7, v57;
	v57, v60, _ =	vpop (xrf1)  }
0xb3: {  	[tilespmem:$0x1FAD0] =	vst v60;
	v17, v5, _ =	vpop (xrf1);
	v60 =	vld [tilespmem:$0x1FF40]  }
0xb4: {  	[tilespmem:$0x1FB30] =	vst v5;
	v5 =	vld [tilespmem:$0x1FF50];
	_ =	sdelay $0x2  }
0xb5: {  	(xrf1) =	vsort.ascd.msk.f32 $0xffff, v1, v4  }
0xb6: {  	v11 =	vld [tilespmem:$0x360];
	(xrf1) =	vsort.ascd.msk.f32 $0xffff, v8, v60  }
0xb7: {  	v60, v4, _ =	vpop (xrf1);
	(xrf1) =	vsort.ascd.msk.f32 $0xffff, v13, v5;
	v5 =	vld [tilespmem:$0x1FF60];
	_ =	sdelay $0x3  }
0xb8: {  	[tilespmem:$0x1FB00] =	vst v4;
	v13, v4, _ =	vpop (xrf1)  }
0xb9: {  	v7 =	vld [tilespmem:$0x370];
	[tilespmem:$0x1FB50] =	vst v4;
	(xrf1) =	vsort.ascd.msk.f32 $0xffff, v11, v5;
	v4, v11, _ =	vpop (xrf1)  }
0xba: {  	[tilespmem:$0x1FB20] =	vst v11;
	v11 =	vld [tilespmem:$0x1FF70];
	_ =	sdelay $0x4  }
0xbb: {  	v1 =	vld [tilespmem:$0x380];
	[tilespmem:$0x1FB10] =	vst v4;
	(xrf1) =	vsort.ascd.msk.f32 $0xffff, v7, v11;
	v11, v4, _ =	vpop (xrf1)  }
0xbc: {  	[tilespmem:$0x1FB90] =	vst v4;
	v4 =	vld [tilespmem:$0x1FF80];
	_ =	sdelay $0x3  }
0xbd: {  	v0 =	vld [tilespmem:$0x3A0]  }
0xbe: {  	v8 =	vld [tilespmem:$0x390];
	(xrf1) =	vsort.ascd.msk.f32 $0xffff, v1, v4;
	v5, v1, _ =	vpop (xrf1)  }
0xbf: {  	[tilespmem:$0x1FB40] =	vst v5;
	v5 =	vld [tilespmem:$0x1FF90]  }
0xc0: {  	v7 =	vld [tilespmem:$0x1FFA0];
	_ =	sdelay $0x3  }
0xc1: {  	(xrf1) =	vsort.ascd.msk.f32 $0xffff, v8, v5  }
0xc2: {  	[tilespmem:$0x1FB60] =	vst v1;
	v8, v1, _ =	vpop (xrf1);
	(xrf1) =	vsort.ascd.msk.f32 $0xffff, v0, v7;
	v7 =	vlaneseq.u32;
	_ =	sdelay $0x2  }
0xc3: {  	v2 =	vld [tilespmem:$0x3B0];
	[tilespmem:$0x1FBB0] =	vst v1;
	v0 =	vmul.u32 $0xFFFFFFFF, v7;
	v7, v1, _ =	vpop (xrf1)  }
0xc4: {  	[tilespmem:$0x1FB70] =	vst v7;
	v7 =	vld [tilespmem:$0x1FFB0];
	_ =	sdelay $0x4  }
0xc5: {  	v3 =	vld [tilespmem:$0x3C0];
	[tilespmem:$0x1FB80] =	vst v1;
	(xrf1) =	vsort.ascd.msk.f32 $0xffff, v2, v7;
	v7, v1, _ =	vpop (xrf1)  }
0xc6: {  	[tilespmem:$0x1FBE0] =	vst v1;
	v1 =	vld [tilespmem:$0x1FFC0];
	_ =	sdelay $0x4  }
0xc7: {  	v4 =	vld [tilespmem:$0x3D0];
	(xrf1) =	vsort.ascd.msk.f32 $0xffff, v3, v1;
	v1 =	vadd.s32 $0xF, v0;
	v3, v0, _ =	vpop (xrf1)  }
0xc8: {  	[tilespmem:$0x1FBC0] =	vst v0;
	v0 =	vld [tilespmem:$0x1FFD0];
	_ =	sdelay $0x4  }
0xc9: {  	v5 =	vld [tilespmem:$0x3E0];
	[tilespmem:$0x1FBA0] =	vst v3;
	(xrf1) =	vsort.ascd.msk.f32 $0xffff, v4, v0;
	v0 =	vperm.xlane v14, v1;
	v3, v14, _ =	vpop (xrf1)  }
0xca: {  	[tilespmem:$0x1FBF0] =	vst v14;
	v14 =	vld [tilespmem:$0x1FFE0];
	_ =	sdelay $0x4  }
0xcb: {  	v2 =	vld [tilespmem:$0x3F0];
	v4 =	vperm.xlane v49, v1;
	(xrf1) =	vsort.ascd.msk.f32 $0xffff, v5, v14;
	v5 =	vperm.xlane v12, v1;
	v49, v12, _ =	vpop (xrf1)  }
0xcc: {  	[tilespmem:$0x1FBD0] =	vst v12;
	v12 =	vld [tilespmem:$0x1FFF0];
	_ =	sdelay $0x2  }
0xcd: {  	vm1 =	vle.f32 v18, v0  }
0xce: {  	v21 =	vperm.xlane v21, v1;
	v0 =	vsel vm1, v18, v0;
	v4 =	vsel vm1, v48, v4  }
0xcf: {  	vm1 =	vle.f32 v10, v5;
	(xrf1) =	vsort.ascd.msk.f32 $0xffff, v2, v12;
	v12 =	vperm.xlane v15, v1  }
0xd0: {  	v18, v48, _ =	vpop (xrf1);
	v15 =	vsel vm1, v10, v5;
	v2 =	vsel vm1, v59, v21;
	(xrf1) =	vsort.ascd.msk.f32 $0xffff, v0, v4  }
0xd1: {  	[tilespmem:$0x1FC00] =	vst v48;
	v48, v59, _ =	vpop (xrf1);
	(xrf1) =	vsort.ascd.msk.f32 $0xffff, v15, v2;
	v15 =	vld [tilespmem:$0x1F9C0];
	_ =	sdelay $0x2  }
0xd2: {  	v21 =	vperm.xlane v28, v1  }
0xd3: {  	vm1 =	vle.f32 v41, v12  }
0xd4: {  	v4 =	vsel vm1, v15, v21;
	v21 =	vld [tilespmem:$0x1F9D0];
	_ =	sdelay $0x1  }
0xd5: {  	v28 =	vperm.xlane v16, v1  }
0xd6: {  	v14 =	vperm.xlane v37, v1  }
0xd7: {  	v12 =	vsel vm1, v41, v12;
	vm1 =	vle.f32 v6, v28  }
0xd8: {  	v2 =	vsel vm1, v21, v14;
	v21 =	vld [tilespmem:$0x1F9E0];
	_ =	sdelay $0x1  }
0xd9: {  	v9 =	vperm.xlane v9, v1;
	v41, v37, _ =	vpop (xrf1);
	(xrf1) =	vsort.ascd.msk.f32 $0xffff, v12, v4  }
0xda: {  	v16 =	vsel vm1, v6, v28;
	v28 =	vperm.xlane v32, v1;
	v32 =	vperm.xlane v20, v1  }
0xdb: {  	v6, v4, _ =	vpop (xrf1);
	vm1 =	vle.f32 v61, v9;
	(xrf1) =	vsort.ascd.msk.f32 $0xffff, v16, v2  }
0xdc: {  	v16 =	vsel vm1, v61, v9;
	v5 =	vsel vm1, v21, v28;
	vm1 =	vle.f32 v56, v32  }
0xdd: {  	v28 =	vsel vm1, v56, v32;
	v32 =	vld [tilespmem:$0x1F9F0]  }
0xde: {  	v56 =	vld [tilespmem:$0x1FA00];
	_ =	sdelay $0x1  }
0xdf: {  	v23 =	vperm.xlane v23, v1;
	v20 =	vperm.xlane v33, v1  }
0xe0: {  	v33 =	vperm.xlane v42, v1;
	v42 =	vperm.xlane v27, v1  }
0xe1: {  	v0, v10, _ =	vpop (xrf1);
	(xrf1) =	vsort.ascd.msk.f32 $0xffff, v16, v5;
	v5 =	vsel vm1, v32, v20;
	vm1 =	vle.f32 v52, v23  }
0xe2: {  	v12 =	vsel vm1, v56, v33;
	v33 =	vld [tilespmem:$0x1FA10]  }
0xe3: {  	v14 =	vsel vm1, v52, v23;
	vm1 =	vle.f32 v47, v42  }
0xe4: {  	v45 =	vperm.xlane v45, v1;
	v46 =	vperm.xlane v46, v1;
	v32 =	vsel vm1, v47, v42;
	v47 =	vld [tilespmem:$0x1FA20]  }
0xe5: {  	v49 =	vperm.xlane v49, v1;
	v52 =	vperm.xlane v38, v1  }
0xe6: {  	v15, v9, _ =	vpop (xrf1);
	v61 =	vperm.xlane v29, v1;
	(xrf1) =	vsort.ascd.msk.f32 $0xffff, v28, v5;
	v38 =	vperm.xlane v53, v1;
	v56 =	vld [tilespmem:$0x1FA30]  }
0xe7: {  	v42 =	vperm.xlane v34, v1;
	v5, v2, _ =	vpop (xrf1);
	(xrf1) =	vsort.ascd.msk.f32 $0xffff, v14, v12;
	v14 =	vsel vm1, v33, v52  }
0xe8: {  	vm1 =	vle.f32 v44, v61;
	v52 =	vperm.xlane v36, v1;
	v36 =	vperm.xlane v40, v1  }
0xe9: {  	v27, v16, _ =	vpop (xrf1);
	v40 =	vld [tilespmem:$0x1FA40];
	(xrf1) =	vsort.ascd.msk.f32 $0xffff, v32, v14;
	v21 =	vsel vm1, v44, v61;
	v20 =	vsel vm1, v47, v38  }
0xea: {  	vm1 =	vle.f32 v39, v42;
	v61 =	vperm.xlane v55, v1;
	v44 =	vld [tilespmem:$0x1FA50];
	v55 =	vperm.xlane v50, v1  }
0xeb: {  	v50 =	vld [tilespmem:$0x1FAB0];
	v53 =	vsel vm1, v39, v42;
	v12, v14, _ =	vpop (xrf1);
	(xrf1) =	vsort.ascd.msk.f32 $0xffff, v21, v20;
	v21 =	vsel vm1, v56, v45  }
0xec: {  	v48 =	vperm.xlane v48, v1;
	v39 =	vperm.xlane v58, v1;
	v32, v33, _ =	vpop (xrf1);
	(xrf1) =	vsort.ascd.msk.f32 $0xffff, v53, v21;
	v53 =	vld [tilespmem:$0x1FA60]  }
0xed: {  	v42 =	vperm.xlane v43, v1;
	v58 =	vld [tilespmem:$0x1FA70];
	vm1 =	vle.f32 v35, v52;
	v45 =	vperm.xlane v62, v1  }
0xee: {  	v62 =	vperm.xlane v51, v1;
	v51 =	vld [tilespmem:$0x1FAC0];
	v38 =	vsel vm1, v35, v52;
	v23 =	vsel vm1, v40, v61  }
0xef: {  	vm1 =	vle.f32 v31, v36;
	v52 =	vperm.xlane v63, v1;
	v61 =	vld [tilespmem:$0x1FA80];
	v35, v20, _ =	vpop (xrf1);
	(xrf1) =	vsort.ascd.msk.f32 $0xffff, v38, v23  }
0xf0: {  	v43 =	vsel vm1, v31, v36;
	v23 =	vsel vm1, v44, v39;
	vm1 =	vle.f32 v30, v42;
	v44 =	vld [tilespmem:$0x1FA90]  }
0xf1: {  	v47 =	vsel vm1, v30, v42;
	v28 =	vsel vm1, v53, v45;
	vm1 =	vle.f32 v25, v46;
	v45 =	vld [tilespmem:$0x1FAA0]  }
0xf2: {  	v6 =	vperm.xlane v6, v1;
	v56 =	vsel vm1, v25, v46;
	v46 =	vperm.xlane v54, v1;
	v54 =	vld [tilespmem:$0x1FAD0]  }
0xf3: {  	v31, v36, _ =	vpop (xrf1);
	(xrf1) =	vsort.ascd.msk.f32 $0xffff, v43, v23;
	v23 =	vsel vm1, v58, v52;
	v52 =	vperm.xlane v57, v1;
	v57 =	vld [tilespmem:$0x1FAF0]  }
0xf4: {  	v4 =	vperm.xlane v4, v1;
	v15 =	vperm.xlane v15, v1;
	vm1 =	vle.f32 v22, v55;
	v58 =	vld [tilespmem:$0x1FB00]  }
0xf5: {  	v34, v38, _ =	vpop (xrf1);
	(xrf1) =	vsort.ascd.msk.f32 $0xffff, v47, v28;
	v25 =	vperm.xlane v61, v1;
	v63 =	vsel vm1, v22, v55;
	v55 =	vld [tilespmem:$0x1FAE0]  }
0xf6: {  	v9 =	vperm.xlane v9, v1;
	v29, v39, _ =	vpop (xrf1);
	v61 =	vld [tilespmem:$0x1FB20];
	(xrf1) =	vsort.ascd.msk.f32 $0xffff, v56, v23;
	v22 =	vperm.xlane v44, v1  }
0xf7: {  	v56 =	vperm.xlane v60, v1;
	v60 =	vld [tilespmem:$0x1FB10];
	v23 =	vsel vm1, v45, v25;
	vm1 =	vle.f32 v26, v62  }
0xf8: {  	v30, v40, _ =	vpop (xrf1);
	(xrf1) =	vsort.ascd.msk.f32 $0xffff, v63, v23;
	v47 =	vsel vm1, v26, v62;
	v23 =	vperm.xlane v51, v1;
	v62 =	vld [tilespmem:$0x1FB30]  }
0xf9: {  	v27 =	vperm.xlane v27, v1;
	v22 =	vsel vm1, v50, v22;
	vm1 =	vle.f32 v24, v46;
	v63 =	vld [tilespmem:$0x1FB40]  }
0xfa: {  	v28, v42, _ =	vpop (xrf1);
	v50 =	vld [tilespmem:$0x1FB50];
	(xrf1) =	vsort.ascd.msk.f32 $0xffff, v47, v22;
	v22 =	vperm.xlane v54, v1;
	v23 =	vsel vm1, v55, v23  }
0xfb: {  	v26 =	vperm.xlane v58, v1;
	v51 =	vld [tilespmem:$0x1FB60];
	v53 =	vsel vm1, v24, v46;
	vm1 =	vle.f32 v19, v52  }
0xfc: {  	v55 =	vld [tilespmem:$0x1FBA0];
	v19 =	vsel vm1, v19, v52;
	v21 =	vsel vm1, v57, v22;
	vm1 =	vle.f32 v17, v56  }
0xfd: {  	v25, v43, _ =	vpop (xrf1);
	v44 =	vperm.xlane v60, v1;
	v54 =	vld [tilespmem:$0x1FB90];
	(xrf1) =	vsort.ascd.msk.f32 $0xffff, v53, v23;
	v17 =	vsel vm1, v17, v56  }
0xfe: {  	v52 =	vld [tilespmem:$0x1FB70];
	v45 =	vperm.xlane v63, v1;
	v22, v23, _ =	vpop (xrf1);
	(xrf1) =	vsort.ascd.msk.f32 $0xffff, v19, v21;
	v19 =	vperm.xlane v61, v1  }
0xff: {  	v53 =	vld [tilespmem:$0x1FB80];
	v21 =	vsel vm1, v62, v26;
	vm1 =	vle.f32 v13, v44;
	v62 =	vperm.xlane v59, v1  }
0x100: {  	v59 =	vperm.xlane v36, v1;
	v13 =	vsel vm1, v13, v44;
	v44 =	vperm.xlane v51, v1  }
0x101: {  	v57 =	vld [tilespmem:$0x1FBC0];
	v24, v26, _ =	vpop (xrf1);
	(xrf1) =	vsort.ascd.msk.f32 $0xffff, v17, v21;
	v47 =	vperm.xlane v55, v1;
	v22 =	vperm.xlane v22, v1  }
0x102: {  	v56 =	vld [tilespmem:$0x1FBB0];
	v23 =	vperm.xlane v23, v1;
	v17 =	vsel vm1, v50, v19;
	vm1 =	vle.f32 v11, v45  }
0x103: {  	v58 =	vld [tilespmem:$0x1FBD0];
	v46 =	vperm.xlane v52, v1;
	v52 =	vperm.xlane v16, v1;
	v11 =	vsel vm1, v11, v45  }
0x104: {  	v60 =	vld [tilespmem:$0x1FBE0];
	v19, v21, _ =	vpop (xrf1);
	(xrf1) =	vsort.ascd.msk.f32 $0xffff, v13, v17;
	v13 =	vperm.xlane v53, v1;
	v17 =	vsel vm1, v54, v44  }
0x105: {  	vm1 =	vle.f32 v8, v46;
	v54 =	vperm.xlane v32, v1;
	v44, v45, _ =	vpop (xrf1);
	(xrf1) =	vsort.ascd.msk.f32 $0xffff, v11, v17  }
0x106: {  	v61 =	vld [tilespmem:$0x1FBF0];
	v8 =	vsel vm1, v8, v46;
	v46 =	vperm.xlane v57, v1;
	v57 =	vperm.xlane v31, v1  }
0x107: {  	v19 =	vperm.xlane v19, v1;
	v11 =	vsel vm1, v56, v13;
	vm1 =	vle.f32 v7, v47  }
0x108: {  	v50 =	vld [tilespmem:$0x1FC00];
	v56 =	vperm.xlane v33, v1;
	v33 =	vperm.xlane v42, v1;
	v7 =	vsel vm1, v7, v47  }
0x109: {  	v13, v17, _ =	vpop (xrf1);
	(xrf1) =	vsort.ascd.msk.f32 $0xffff, v8, v11;
	v8 =	vperm.xlane v58, v1;
	v11 =	vsel vm1, v60, v46  }
0x10a: {  	vm1 =	vle.f32 v3, v49;
	v60 =	vperm.xlane v29, v1;
	v46, v47, _ =	vpop (xrf1);
	(xrf1) =	vsort.ascd.msk.f32 $0xffff, v7, v11  }
0x10b: {  	v3 =	vsel vm1, v3, v49;
	v7 =	vsel vm1, v61, v8;
	vm1 =	vle.f32 v18, v48  }
0x10c: {  	v13 =	vperm.xlane v13, v1;
	v17 =	vperm.xlane v17, v1;
	v63 =	vsel vm1, v18, v48  }
0x10d: {  	v8, v11, _ =	vpop (xrf1);
	(xrf1) =	vsort.ascd.msk.f32 $0xffff, v3, v7;
	v7 =	vsel vm1, v50, v62;
	vm1 =	vle.f32 v41, v6  }
0x10e: {  	v62 =	vperm.xlane v39, v1;
	v39 =	vperm.xlane v21, v1;
	v18, v48, _ =	vpop (xrf1);
	(xrf1) =	vsort.ascd.msk.f32 $0xffff, v63, v7  }
0x10f: {  	v51 =	vsel vm1, v41, v6;
	v4 =	vsel vm1, v37, v4;
	vm1 =	vle.f32 v0, v15  }
0x110: {  	v0 =	vsel vm1, v0, v15;
	v53 =	vsel vm1, v10, v9;
	vm1 =	vle.f32 v5, v27  }
0x111: {  	v63 =	vperm.xlane v28, v1;
	v8 =	vperm.xlane v8, v1;
	v55 =	vsel vm1, v5, v27  }
0x112: {  	v2 =	vsel vm1, v2, v52;
	vm1 =	vle.f32 v12, v54;
	v6, v7, _ =	vpop (xrf1);
	(xrf1) =	vsort.ascd.msk.f32 $0xffff, v51, v4  }
0x113: {  	v58 =	vsel vm1, v12, v54;
	v5 =	vsel vm1, v14, v56;
	vm1 =	vle.f32 v35, v57  }
0x114: {  	v52 =	vperm.xlane v11, v1;
	v9, v10, _ =	vpop (xrf1);
	(xrf1) =	vsort.ascd.msk.f32 $0xffff, v0, v53;
	v61 =	vsel vm1, v35, v57  }
0x115: {  	v6 =	vperm.xlane v6, v1;
	v7 =	vperm.xlane v7, v1;
	v3, v4, _ =	vpop (xrf1);
	(xrf1) =	vsort.ascd.msk.f32 $0xffff, v55, v2  }
0x116: {  	v2 =	vsel vm1, v20, v59;
	vm1 =	vle.f32 v34, v60;
	v12, v14, _ =	vpop (xrf1);
	(xrf1) =	vsort.ascd.msk.f32 $0xffff, v58, v5  }
0x117: {  	v32 =	vsel vm1, v34, v60;
	v34 =	vsel vm1, v38, v62;
	vm1 =	vle.f32 v30, v63  }
0x118: {  	v3 =	vperm.xlane v3, v1;
	v60 =	vperm.xlane v4, v1;
	v5, v16, _ =	vpop (xrf1);
	(xrf1) =	vsort.ascd.msk.f32 $0xffff, v61, v2  }
0x119: {  	v35 =	vsel vm1, v30, v63;
	v2 =	vsel vm1, v40, v33;
	vm1 =	vle.f32 v25, v22  }
0x11a: {  	v20, v28, _ =	vpop (xrf1);
	(xrf1) =	vsort.ascd.msk.f32 $0xffff, v32, v34;
	v38 =	vsel vm1, v25, v22;
	v40 =	vsel vm1, v43, v23  }
0x11b: {  	vm1 =	vle.f32 v24, v19;
	v5 =	vperm.xlane v5, v1;
	v36, v37, _ =	vpop (xrf1);
	(xrf1) =	vsort.ascd.msk.f32 $0xffff, v35, v2  }
0x11c: {  	v43 =	vsel vm1, v24, v19;
	v2 =	vsel vm1, v26, v39;
	vm1 =	vle.f32 v44, v13  }
0x11d: {  	v26 =	vperm.xlane v16, v1;
	v41, v42, _ =	vpop (xrf1);
	(xrf1) =	vsort.ascd.msk.f32 $0xffff, v38, v40;
	v51 =	vsel vm1, v44, v13  }
0x11e: {  	v53 =	vsel vm1, v45, v17;
	vm1 =	vle.f32 v46, v8;
	v29 =	vperm.xlane v36, v1  }
0x11f: {  	v31 =	vperm.xlane v37, v1;
	v50, v49, _ =	vpop (xrf1);
	(xrf1) =	vsort.ascd.msk.f32 $0xffff, v43, v2;
	v56 =	vsel vm1, v46, v8  }
0x120: {  	v2 =	vsel vm1, v47, v52;
	vm1 =	vle.f32 v18, v6;
	v54, v55, _ =	vpop (xrf1);
	(xrf1) =	vsort.ascd.msk.f32 $0xffff, v51, v53  }
0x121: {  	v59 =	vsel vm1, v18, v6;
	v61 =	vsel vm1, v48, v7;
	vm1 =	vle.f32 v9, v3  }
0x122: {  	v35 =	vperm.xlane v50, v1;
	v39 =	vperm.xlane v49, v1;
	v58, v57, _ =	vpop (xrf1);
	(xrf1) =	vsort.ascd.msk.f32 $0xffff, v56, v2  }
0x123: {  	v18 =	vsel vm1, v9, v3;
	v2 =	vsel vm1, v10, v60;
	vm1 =	vle.f32 v12, v5  }
0x124: {  	v62, v63, _ =	vpop (xrf1);
	(xrf1) =	vsort.ascd.msk.f32 $0xffff, v59, v61;
	v30 =	vsel vm1, v12, v5;
	v32 =	vsel vm1, v14, v26  }
0x125: {  	vm1 =	vle.f32 v20, v29;
	v8 =	vperm.xlane v58, v1;
	v25, v24, _ =	vpop (xrf1);
	(xrf1) =	vsort.ascd.msk.f32 $0xffff, v18, v2  }
0x126: {  	v36 =	vsel vm1, v20, v29;
	v2 =	vsel vm1, v28, v31;
	vm1 =	vle.f32 v41, v35  }
0x127: {  	v34, v33, _ =	vpop (xrf1);
	(xrf1) =	vsort.ascd.msk.f32 $0xffff, v30, v32;
	v40 =	vsel vm1, v41, v35;
	v41 =	vperm.xlane v57, v1  }
0x128: {  	v42 =	vsel vm1, v42, v39;
	vm1 =	vle.f32 v54, v8;
	v3 =	vperm.xlane v25, v1  }
0x129: {  	v4 =	vperm.xlane v24, v1;
	v37, v38, _ =	vpop (xrf1);
	(xrf1) =	vsort.ascd.msk.f32 $0xffff, v36, v2;
	v45 =	vsel vm1, v54, v8  }
0x12a: {  	v43, v44, _ =	vpop (xrf1);
	v2 =	vsel vm1, v55, v41;
	vm1 =	vle.f32 v62, v3;
	v5 =	vperm.xlane v37, v1  }
0x12b: {  	v49 =	vperm.xlane v38, v1;
	v47, v46, _ =	vpop (xrf1);
	v48 =	vsel vm1, v62, v3  }
0x12c: {  	v50 =	vsel vm1, v63, v4;
	vm1 =	vle.f32 v34, v5;
	v53 =	vperm.xlane v47, v1  }
0x12d: {  	(xrf1) =	vsort.ascd.msk.f32 $0xffff, v40, v42;
	v56 =	vperm.xlane v46, v1;
	v5 =	vsel vm1, v34, v5  }
0x12e: {  	(xrf1) =	vsort.ascd.msk.f32 $0xffff, v45, v2;
	v52, v51, _ =	vpop (xrf1);
	v2 =	vsel vm1, v33, v49;
	vm1 =	vle.f32 v43, v53  }
0x12f: {  	v0, v3, _ =	vpop (xrf1);
	v10 =	vsel vm1, v44, v56  }
0x130: {  	(xrf1) =	vsort.ascd.msk.f32 $0xffff, v48, v50;
	v54, v55, _ =	vpop (xrf1);
	v7 =	vsel vm1, v43, v53  }
0x131: {  	v0 =	vperm.xlane v0, v1;
	(xrf1) =	vsort.ascd.msk.f32 $0xffff, v5, v2;
	v2, v5, _ =	vpop (xrf1)  }
0x132: {  	v3 =	vperm.xlane v3, v1;
	v58, v57, _ =	vpop (xrf1)  }
0x133: {  	vm1 =	vle.f32 v52, v0;
	(xrf1) =	vsort.ascd.msk.f32 $0xffff, v7, v10;
	v2 =	vperm.xlane v2, v1;
	v7, v10, _ =	vpop (xrf1)  }
0x134: {  	v0 =	vsel vm1, v52, v0;
	v59 =	vperm.xlane v5, v1;
	v60 =	vperm.xlane v7, v1  }
0x135: {  	v3 =	vsel vm1, v51, v3;
	vm1 =	vle.f32 v54, v2;
	v61 =	vperm.xlane v10, v1  }
0x136: {  	v2 =	vsel vm1, v54, v2;
	v62 =	vsel vm1, v55, v59;
	vm1 =	vle.f32 v58, v60  }
0x137: {  	(xrf1) =	vsort.ascd.msk.f32 $0xffff, v0, v3;
	v0 =	vsel vm1, v57, v61  }
0x138: {  	v16, v63, _ =	vpop (xrf1)  }
0x139: {  	v18, v19, _ =	vpop (xrf1);
	(xrf1) =	vsort.ascd.msk.f32 $0xffff, v2, v62;
	v17 =	vsel vm1, v58, v60  }
0x13a: {  	v3 =	vperm.xlane v18, v1;
	(xrf1) =	vsort.ascd.msk.f32 $0xffff, v17, v0;
	v0, v2, _ =	vpop (xrf1)  }
0x13b: {  	v5 =	vperm.xlane v19, v1;
	v20, v21, _ =	vpop (xrf1)  }
0x13c: {  	vm1 =	vle.f32 v16, v3;
	v7 =	vperm.xlane v20, v1  }
0x13d: {  	v5 =	vsel vm1, v63, v5;
	v26 =	vperm.xlane v21, v1  }
0x13e: {  	v3 =	vsel vm1, v16, v3;
	v23, v22, _ =	vpop (xrf1);
	vm1 =	vle.f32 v0, v7  }
0x13f: {  	v24, v25, _ =	vpop (xrf1);
	v2 =	vsel vm1, v2, v26  }
0x140: {  	v28, v27, _ =	vpop (xrf1);
	v11 =	vperm.xlane v24, v1;
	v0 =	vsel vm1, v0, v7  }
0x141: {  	(xrf1) =	vsort.ascd.msk.f32 $0xffff, v3, v5;
	v12 =	vperm.xlane v25, v1;
	v3, v5, _ =	vpop (xrf1)  }
0x142: {  	v30, v29, _ =	vpop (xrf1);
	vm1 =	vle.f32 v23, v11;
	v3 =	vperm.xlane v3, v1  }
0x143: {  	(xrf1) =	vsort.ascd.msk.f32 $0xffff, v0, v2;
	v5 =	vperm.xlane v5, v1;
	v10 =	vsel vm1, v22, v12;
	v0, v2, _ =	vpop (xrf1)  }
0x144: {  	v9 =	vsel vm1, v23, v11;
	vm1 =	vle.f32 v28, v3;
	v0 =	vperm.xlane v0, v1  }
0x145: {  	v5 =	vsel vm1, v27, v5;
	v2 =	vperm.xlane v2, v1  }
0x146: {  	v3 =	vsel vm1, v28, v3;
	v31, v32, _ =	vpop (xrf1);
	vm1 =	vle.f32 v30, v0  }
0x147: {  	(xrf1) =	vsort.ascd.msk.f32 $0xffff, v9, v10;
	v9, v10, _ =	vpop (xrf1);
	v2 =	vsel vm1, v29, v2  }
0x148: {  	v33, v34, _ =	vpop (xrf1);
	v9 =	vperm.xlane v9, v1;
	v0 =	vsel vm1, v30, v0  }
0x149: {  	(xrf1) =	vsort.ascd.msk.f32 $0xffff, v3, v5;
	v3, v5, _ =	vpop (xrf1)  }
0x14a: {  	v10 =	vperm.xlane v10, v1;
	v35, v36, _ =	vpop (xrf1);
	vm1 =	vle.f32 v31, v9  }
0x14b: {  	(xrf1) =	vsort.ascd.msk.f32 $0xffff, v0, v2;
	v3 =	vperm.xlane v3, v1;
	v5 =	vperm.xlane v5, v1;
	v0, v2, _ =	vpop (xrf1)  }
0x14c: {  	v9 =	vsel vm1, v31, v9;
	v10 =	vsel vm1, v32, v10;
	v0 =	vperm.xlane v0, v1  }
0x14d: {  	(xrf1) =	vsort.ascd.msk.f32 $0xffff, v9, v10;
	vm1 =	vle.f32 v33, v3;
	v2 =	vperm.xlane v2, v1  }
0x14e: {  	v3 =	vsel vm1, v33, v3;
	v5 =	vsel vm1, v34, v5;
	vm1 =	vle.f32 v35, v0  }
0x14f: {  	(xrf1) =	vsort.ascd.msk.f32 $0xffff, v3, v5;
	v0 =	vsel vm1, v35, v0;
	v2 =	vsel vm1, v36, v2  }
0x150: {  	(xrf1) =	vsort.ascd.msk.f32 $0xffff, v0, v2;
	_ =	sdelay $0x6  }
0x151: {  	v0, v2, _ =	vpop (xrf1)  }
0x152: {  	v37, v38, _ =	vpop (xrf1)  }
0x153: {  	v40, v39, _ =	vpop (xrf1)  }
0x154: {  	v3 =	vperm.xlane v37, v1;
	v42, v41, _ =	vpop (xrf1)  }
0x155: {  	v4 =	vperm.xlane v38, v1;
	v9, v10, _ =	vpop (xrf1);
	v7 =	vperm.xlane v42, v1  }
0x156: {  	vm1 =	vle.f32 v0, v3;
	v8 =	vperm.xlane v41, v1;
	v43, v44, _ =	vpop (xrf1)  }
0x157: {  	v0 =	vsel vm1, v0, v3;
	v2 =	vsel vm1, v2, v4;
	vm1 =	vle.f32 v40, v7;
	v45, v46, _ =	vpop (xrf1)  }
0x158: {  	(xrf1) =	vsort.ascd.msk.f32 $0xffff, v0, v2;
	v50 =	vperm.xlane v43, v1;
	v51 =	vperm.xlane v44, v1;
	v48, v49, _ =	vpop (xrf1)  }
0x159: {  	v47 =	vsel vm1, v40, v7;
	v6 =	vsel vm1, v39, v8;
	v2 =	vperm.xlane v48, v1  }
0x15a: {  	(xrf1) =	vsort.ascd.msk.f32 $0xffff, v47, v6;
	vm1 =	vle.f32 v9, v50;
	v52 =	vperm.xlane v49, v1  }
0x15b: {  	v53 =	vsel vm1, v9, v50;
	v54 =	vsel vm1, v10, v51;
	vm1 =	vle.f32 v45, v2  }
0x15c: {  	(xrf1) =	vsort.ascd.msk.f32 $0xffff, v53, v54;
	v2 =	vsel vm1, v45, v2;
	v0 =	vsel vm1, v46, v52  }
0x15d: {  	(xrf1) =	vsort.ascd.msk.f32 $0xffff, v2, v0;
	_ =	sdelay $0xa  }
0x15e: {  	v0, v2, _ =	vpop (xrf1)  }
0x15f: {  	v55, v56, _ =	vpop (xrf1)  }
0x160: {  	v5, v6, _ =	vpop (xrf1)  }
0x161: {  	v3 =	vperm.xlane v55, v1;
	v57, v58, _ =	vpop (xrf1)  }
0x162: {  	v4 =	vperm.xlane v56, v1;
	v7 =	vperm.xlane v57, v1  }
0x163: {  	vm1 =	vle.f32 v0, v3;
	v8 =	vperm.xlane v58, v1  }
0x164: {  	v0 =	vsel vm1, v0, v3;
	v2 =	vsel vm1, v2, v4;
	vm1 =	vle.f32 v5, v7  }
0x165: {  	(xrf1) =	vsort.ascd.msk.f32 $0xffff, v0, v2;
	v59 =	vsel vm1, v5, v7;
	v60 =	vsel vm1, v6, v8  }
0x166: {  	(xrf1) =	vsort.ascd.msk.f32 $0xffff, v59, v60;
	_ =	sdelay $0xc  }
0x167: {  	v0, v2, _ =	vpop (xrf1)  }
0x168: {  	v61, v62, _ =	vpop (xrf1)  }
0x169: {  	v3 =	vperm.xlane v61, v1  }
0x16a: {  	v1 =	vperm.xlane v62, v1  }
0x16b: {  	vm1 =	vle.f32 v0, v3  }
0x16c: {  	v0 =	vsel vm1, v0, v3;
	v1 =	vsel vm1, v2, v1  }
0x16d: {  	(xrf1) =	vsort.ascd.msk.f32 $0xffff, v0, v1;
	_ =	sdelay $0xd  }
0x16e: {  	_, v0, _ =	vpop (xrf1);
	_ =	sdelay $0x3  }
0x16f: {  	v0 =	vld.idx.msk [tilespmem:v0+s8+$0x0], $0xffff;
	_ =	sdelay $0x4  }
0x170: {  	v0 =	vnsel vm0, $0x0, v0  }
0x171: {  	(xrf0) =	vadd.scan.msk.s32 $0xffff, v0;
	_ =	sdelay $0x5  }
0x172: {  	v0, _, _ =	vpop (xrf0)  }
0x173: {  	(v2sf) =	vpush v0, $0xF;
	_ =	sdelay $0xe  }
0x174: {  	s11 =	spop (v2sf)  }
0x175: {  	p0 =	sgt.s32 s11, $0x4;
	s11 =	simm.s32 $0x1  }
0x176: {  	s11 =	simm.s32 @!p0 $0x0  }
0x177: {  	p0 =	sne.s32 s6, $0x1;
	v63 =	vmov s11  }
.Ltmp0:
0x178: {  	[tilespmem:$0x800] =	vst v63;
	(pc) =	sbr.rel @p0 .LBB2_1-.Ltmp0, $4  }
0x179: {  	[hbm4b:s5+s3] =	stream.linear.scatter [tilespmem:s10], [sflag:$0x1], $0x80, $0x38;
	[tilespmem:$0x880] =	vst v63  }
0x17a: {  	_ =	swait.ge [sflag:s9], $0x80  }
0x17b: {  	[sflag:s9] =	ssyncset.done $0x0  }
0x17c: {  	s6 =	sadd.s32 $0xFFFFFFFF, s6;
	[sflag:s9] =	ssyncadd.s32 $0xFFFFFF80  }
0x17d: {  	_ =	sfence.sel $0x180000  }
0x17e: {  	[bflag:$0x0] =	sbarrier.arrive $0xFFFF  }
0x17f: {  	p0 =	sne.s32 s2, $0x0;
	_ =	strace $0x90000047  }
0x180: {  	s0 =	sadd.s32 @!p0 $0x100000, s0;
	[bflag:$0x2] =	sbarrier.arrive $0xFFFF  }
0x181: {  	[sflag:s0] =	ssyncadd.tile.s32 @!p0 $0x1;
	_ =	shalt  }
.Lfunc_end2:
_tile_overlayer_lowered:
.L_overlay_start_2:
0x182: {  	(tag) =	ssettag $0x2  }
0x183: {  	s0 =	rddreg [dreg:$0x0];
	s2 =	stileid.u32  }
0x184: {  	s1 =	rddreg [dreg:$0x1];
	p0 =	sne.s32 s2, $0x0  }
0x185: {  	s3 =	rddreg [dreg:$0x2];
	[bflag:$0x3] =	sbarrier.arrive $0xFFFF;
	s2 =	simm.s32 @!p0 $0x1C01  }
0x186: {  	[timem:s3], [sflag:s2] =	dma.local @!p0 [hbm:s0], s1  }
0x187: {  	s0 =	simm.s32 @!p0 $0x1  }
0x188: {  	_ =	swait.ge @!p0 [sflag:s0], s1  }
0x189: {  	s1 =	ssub.s32 @!p0 $0x0, s1;
	[sflag:s0] =	ssyncset.done @!p0 $0x0  }
0x18a: {  	[sflag:s0] =	ssyncadd.s32 @!p0 s1  }
0x18b: {  	[bflag:$0x3] =	sbarrier.arrive $0xFFFF  }
0x18c: {  	_ =	shalt  }

</sc_bundles>
